<compile_context>
chip_gen: v7x
topology: tpu7x:2x2x1
jax: 0.10.2.dev20260603
libtpu: 0.0.44.dev20260713+nightly
codegen_flags: <defaults>
</compile_context>

<pallas_src>
import functools

import jax
import jax.numpy as jnp
from jax import lax
from jax.experimental import pallas as pl
from jax.experimental.pallas import tpu as pltpu
from jax.experimental.pallas import tpu_sc as plsc

_NC = 2
_NS = 16
_NW = _NC * _NS
_LANES = 16

_NBUF = 4
_UNROLL = 8


def _make_gather_sum(B, L, V, EMB):
  assert B % _NW == 0 and EMB % _LANES == 0
  bpw = B // _NW
  chunk = L // 2
  assert chunk * 2 == L and chunk <= 128
  assert L % _UNROLL == 0 and bpw % _NBUF == 0
  nvec = EMB // _LANES
  mesh = plsc.VectorSubcoreMesh(core_axis_name="c", subcore_axis_name="s")

  @functools.partial(
      pl.kernel,
      mesh=mesh,
      out_type=jax.ShapeDtypeStruct((B, EMB), jnp.float32),
      scratch_types=[
          pltpu.VMEM((bpw, 2, chunk), jnp.int32),
          [pltpu.VMEM((L, EMB), jnp.float32) for _ in range(_NBUF)],
          pltpu.VMEM((bpw, EMB), jnp.float32),
          [pltpu.SemaphoreType.DMA for _ in range(_NBUF)],
      ],
      compiler_params=pltpu.CompilerParams(use_tc_tiling_on_sc=False),
  )
  def gather_sum(idx_hbm, table_hbm, sums_hbm, idx_v, bufs, outv, sems):
    wid = lax.axis_index("s") * _NC + lax.axis_index("c")
    base = wid * bpw
    pltpu.sync_copy(idx_hbm.at[pl.ds(base, bpw)], idx_v)

    def issue(j, b):
      pltpu.async_copy(table_hbm.at[idx_v.at[j, 0]],
                       bufs[b].at[pl.ds(0, chunk)], sems[b])
      pltpu.async_copy(table_hbm.at[idx_v.at[j, 1]],
                       bufs[b].at[pl.ds(chunk, chunk)], sems[b])

    def drain(j, b):
      pltpu.make_async_copy(table_hbm.at[idx_v.at[j, 0]],
                            bufs[b].at[pl.ds(0, chunk)], sems[b]).wait()
      pltpu.make_async_copy(table_hbm.at[idx_v.at[j, 1]],
                            bufs[b].at[pl.ds(chunk, chunk)], sems[b]).wait()

    for b in range(_NBUF):
      issue(b, b)

    zero = jnp.zeros((_LANES,), jnp.float32)

    def group(g, carry):
      for b in range(_NBUF):
        i = g * _NBUF + b
        drain(i, b)
        buf = bufs[b]

        def red(r, acc):
          rb = r * _UNROLL
          nxt = []
          for k in range(nvec):
            t = [buf[rb + d, pl.ds(_LANES * k, _LANES)]
                 for d in range(_UNROLL)]
            while len(t) > 1:
              t = [t[p] + t[p + 1] for p in range(0, len(t), 2)]
            nxt.append(acc[k] + t[0])
          return tuple(nxt)

        acc = lax.fori_loop(0, L // _UNROLL, red, (zero,) * nvec)
        for k in range(nvec):
          outv[i, pl.ds(_LANES * k, _LANES)] = acc[k]

        nj = i + _NBUF

        @pl.when(nj < bpw)
        def _():
          issue(nj, b)

      return carry

    lax.fori_loop(0, bpw // _NBUF, group, 0)
    pltpu.sync_copy(outv, sums_hbm.at[pl.ds(base, bpw)])

  return gather_sum


def _make_dense(TB, B, EMB, IMG, HID, blk=512):
  assert TB % blk == 0 and B % blk == 0
  grid = (TB // blk,)
  nrep = B // blk

  def body(sums_ref, img_ref, w1e_ref, w1i_ref, b1_ref, w2_ref, b2_ref,
           out_ref):
    x = jnp.dot(sums_ref[...], w1e_ref[...],
                preferred_element_type=jnp.float32)
    x = x + jnp.dot(img_ref[...], w1i_ref[...],
                    preferred_element_type=jnp.float32)
    h = jnp.tanh(x + b1_ref[...])
    o = jnp.sum(h * w2_ref[...], axis=1) + b2_ref[0, 0]
    out_ref[...] = o.reshape(1, blk)

  return pl.pallas_call(
      body,
      grid=grid,
      in_specs=[
          pl.BlockSpec((blk, EMB), lambda g: (g % nrep, 0)),
          pl.BlockSpec((blk, IMG), lambda g: (g, 0)),
          pl.BlockSpec((EMB, HID), lambda g: (0, 0)),
          pl.BlockSpec((IMG, HID), lambda g: (0, 0)),
          pl.BlockSpec((1, HID), lambda g: (0, 0)),
          pl.BlockSpec((1, HID), lambda g: (0, 0)),
          pl.BlockSpec((1, 1), lambda g: (0, 0), memory_space=pltpu.SMEM),
      ],
      out_specs=pl.BlockSpec((1, blk), lambda g: (0, g)),
      out_shape=jax.ShapeDtypeStruct((1, TB), jnp.float32),
      compiler_params=pltpu.CompilerParams(
          dimension_semantics=("arbitrary",)),
  )


@jax.jit
def kernel(inputs, img_feat, emb_table, W1, b1, W2, b2):
  B, L = inputs.shape
  V, EMB = emb_table.shape
  TB, IMG = img_feat.shape
  HID = W1.shape[1]

  idx3 = inputs.reshape(B, 2, L // 2)
  sums = _make_gather_sum(B, L, V, EMB)(idx3, emb_table)

  dense = _make_dense(TB, B, EMB, IMG, HID)
  out = dense(sums, img_feat, W1[:EMB], W1[EMB:], b1.reshape(1, HID),
              W2.reshape(1, HID), b2.reshape(1, 1))
  return out

# --- scband reference (transcript-rebuilt; emitter-appended) ---
"""Pipeline reference for scband-deep-cbow-26156350833281 (READ-ONLY COPY).

The authoritative reference and input builder live on the scoring server;
editing this copy changes nothing except your own understanding.
"""

import jax, jax.numpy as jnp
import numpy as np

VOCAB = 1000000
EMB = 64
IMG = 256
HID = 128
OUT = 1
B = 4096
L = 200

def setup_inputs(seed: int = 0) -> dict:
    key = jax.random.key(seed)
    ks = jax.random.split(key, 8)
    inputs = jax.random.randint(ks[0], (B, L), 0, VOCAB, dtype=jnp.int32)
    img_feat = jax.random.normal(ks[1], (10 * B, IMG), dtype=jnp.float32)
    emb_table = jax.random.normal(ks[2], (VOCAB, EMB), dtype=jnp.float32) * 0.02
    W1 = jax.random.normal(ks[3], (EMB + IMG, HID), dtype=jnp.float32) * (1.0 / np.sqrt(EMB + IMG))
    b1 = jnp.zeros((HID,), dtype=jnp.float32)
    W2 = jax.random.normal(ks[4], (HID, OUT), dtype=jnp.float32) * (1.0 / np.sqrt(HID))
    b2 = jnp.zeros((OUT,), dtype=jnp.float32)
    return {"inputs": inputs, "img_feat": img_feat, "emb_table": emb_table, "W1": W1, "b1": b1, "W2": W2, "b2": b2}

def reference(inputs, img_feat, emb_table, W1, b1, W2, b2):
    # embeds = self.embeddings(inputs)  -> gather
    embeds = jnp.take(emb_table, inputs, axis=0)          # [B, L, EMB]
    # embeds = torch.sum(embeds, 1)
    embeds = jnp.sum(embeds, axis=1)                      # [B, EMB]
    # embeds = embeds.repeat(10, 1)  (torch repeat == tile)
    embeds = jnp.tile(embeds, (10, 1))                    # [10B, EMB]
    # emb_feat = torch.cat((embeds, img_feat), 1)
    emb_feat = jnp.concatenate([embeds, img_feat], axis=1)  # [10B, EMB+IMG]
    # h = tanh(linear1(emb_feat)); h = linear2(h)
    h = jnp.tanh(emb_feat @ W1 + b1)
    h = h @ W2 + b2                                       # [10B, OUT]
    # return h.transpose(0, 1)
    return h.T                                            # [OUT, 10B]

if __name__ == "__main__":
    import jax
    _d = setup_inputs()
    print(jax.jit(kernel)(*tuple(_d.values())))

</pallas_src>

<mosaic_0001>
#map = affine_map<(d0, d1) -> (0, 0, 0)>
#map1 = affine_map<(d0, d1) -> (0, 0)>
module attributes {stable_mosaic.version = 14 : i64} {
  func.func @gather_sum(%arg0: i32, %arg1: i32, %arg2: memref<4096x2x100xi32, #tpu.memory_space<hbm>>, %arg3: memref<1000000x64xf32, #tpu.memory_space<hbm>>, %arg4: memref<4096x64xf32, #tpu.memory_space<hbm>>, %arg5: memref<128x2x100xi32, #tpu.memory_space<vmem>>, %arg6: memref<200x64xf32, #tpu.memory_space<vmem>>, %arg7: memref<200x64xf32, #tpu.memory_space<vmem>>, %arg8: memref<200x64xf32, #tpu.memory_space<vmem>>, %arg9: memref<200x64xf32, #tpu.memory_space<vmem>>, %arg10: memref<128x64xf32, #tpu.memory_space<vmem>>, %arg11: memref<!tpu.dma_semaphore, #tpu.memory_space<semaphore_mem>>, %arg12: memref<!tpu.dma_semaphore, #tpu.memory_space<semaphore_mem>>, %arg13: memref<!tpu.dma_semaphore, #tpu.memory_space<semaphore_mem>>, %arg14: memref<!tpu.dma_semaphore, #tpu.memory_space<semaphore_mem>>) attributes {dimension_semantics = [#tpu.dimension_semantics<core_parallel>, #tpu.dimension_semantics<subcore_parallel>], iteration_bounds = array<i64: 2, 16>, scalar_prefetch = 0 : i64, scratch_operands = 10 : i64, tpu.core_type = #tpu.core_type<sc_vector_subcore>, window_params = [{transform_indices = #map}, {transform_indices = #map1}, {transform_indices = #map1}]} {
    %mul3A = arith.constant 2 : i32
    %mul3A_0 = arith.muli %arg1, %mul3A : i32
    %add3A = arith.addi %mul3A_0, %arg0 : i32
    %mul3A_1 = arith.constant 128 : i32
    %mul3A_2 = arith.muli %add3A, %mul3A_1 : i32
    "tpu.region"() ({
      %run_scoped3A = tpu.sem_alloc : memref<!tpu.dma_semaphore, #tpu.memory_space<semaphore_mem>>
      %dma_start3A_96 = arith.constant 0 : i32
      %dma_start3A_97 = arith.constant 0 : i32
      %dma_start3A_98 = tpu.memref_slice %arg2[%mul3A_2, %dma_start3A_96, %dma_start3A_97] : memref<4096x2x100xi32, #tpu.memory_space<hbm>> -> memref<128x2x100xi32, #tpu.memory_space<hbm>>
      %dma_start3A_99 = arith.constant 0 : i32
      %dma_start3A_100 = arith.constant 0 : i32
      %dma_start3A_101 = tpu.memref_slice %arg2[%mul3A_2, %dma_start3A_99, %dma_start3A_100] : memref<4096x2x100xi32, #tpu.memory_space<hbm>> -> memref<128x2x100xi32, #tpu.memory_space<hbm>>
      tpu.enqueue_dma source(%dma_start3A_101 : memref<128x2x100xi32, #tpu.memory_space<hbm>>) target(%arg5 : memref<128x2x100xi32, #tpu.memory_space<vmem>>) target_semaphore(%run_scoped3A : memref<!tpu.dma_semaphore, #tpu.memory_space<semaphore_mem>>)
      %dma_wait3A = arith.constant 0 : i32
      %dma_wait3A_102 = arith.constant 0 : i32
      %dma_wait3A_103 = tpu.memref_slice %arg2[%mul3A_2, %dma_wait3A, %dma_wait3A_102] : memref<4096x2x100xi32, #tpu.memory_space<hbm>> -> memref<128x2x100xi32, #tpu.memory_space<hbm>>
      %dma_wait3A_104 = arith.constant 0 : i32
      %dma_wait3A_105 = arith.constant 0 : i32
      %dma_wait3A_106 = tpu.memref_slice %arg2[%mul3A_2, %dma_wait3A_104, %dma_wait3A_105] : memref<4096x2x100xi32, #tpu.memory_space<hbm>> -> memref<128x2x100xi32, #tpu.memory_space<hbm>>
      tpu.wait_dma2 semaphore(%run_scoped3A : memref<!tpu.dma_semaphore, #tpu.memory_space<semaphore_mem>>) src(%dma_wait3A_106 : memref<128x2x100xi32, #tpu.memory_space<hbm>>) dst(%arg5 : memref<128x2x100xi32, #tpu.memory_space<vmem>>)
      tpu.yield
    }) : () -> ()
    %dma_start3A = arith.constant 0 : i32
    %dma_start3A_3 = arith.constant 0 : i32
    %dma_start3A_4 = arith.constant 0 : i32
    %dma_start3A_5 = arith.constant 0 : i32
    %dma_start3A_6 = tpu.memref_slice %arg6[%dma_start3A_4, %dma_start3A_5] : memref<200x64xf32, #tpu.memory_space<vmem>> -> memref<100x64xf32, #tpu.memory_space<vmem>>
    %dma_start3A_7 = arith.constant 0 : i32
    %dma_start3A_8 = tpu.memref_slice %arg5[%dma_start3A, %dma_start3A_3, %dma_start3A_7] : memref<128x2x100xi32, #tpu.memory_space<vmem>> -> memref<1x1x100xi32, #tpu.memory_space<vmem>>
    %dma_start3A_9 = tpu.memref_squeeze %dma_start3A_8 : memref<1x1x100xi32, #tpu.memory_space<vmem>> -> memref<100xi32, #tpu.memory_space<vmem>>
    %dma_start3A_10 = arith.constant 0 : i32
    %dma_start3A_11 = arith.constant 0 : i32
    %dma_start3A_12 = tpu.memref_slice %arg3[%dma_start3A_10, %dma_start3A_11] : memref<1000000x64xf32, #tpu.memory_space<hbm>> -> memref<1000000x64xf32, #tpu.memory_space<hbm>>
    tpu.enqueue_indirect_dma source(%dma_start3A_12 : memref<1000000x64xf32, #tpu.memory_space<hbm>>) target(%dma_start3A_6 : memref<100x64xf32, #tpu.memory_space<vmem>>) offsets(%dma_start3A_9 : memref<100xi32, #tpu.memory_space<vmem>>) semaphore(%arg11 : memref<!tpu.dma_semaphore, #tpu.memory_space<semaphore_mem>>)
    %dma_start3A_13 = arith.constant 0 : i32
    %dma_start3A_14 = arith.constant 1 : i32
    %dma_start3A_15 = arith.constant 100 : i32
    %dma_start3A_16 = arith.constant 0 : i32
    %dma_start3A_17 = tpu.memref_slice %arg6[%dma_start3A_15, %dma_start3A_16] : memref<200x64xf32, #tpu.memory_space<vmem>> -> memref<100x64xf32, #tpu.memory_space<vmem>>
    %dma_start3A_18 = arith.constant 0 : i32
    %dma_start3A_19 = tpu.memref_slice %arg5[%dma_start3A_13, %dma_start3A_14, %dma_start3A_18] : memref<128x2x100xi32, #tpu.memory_space<vmem>> -> memref<1x1x100xi32, #tpu.memory_space<vmem>>
    %dma_start3A_20 = tpu.memref_squeeze %dma_start3A_19 : memref<1x1x100xi32, #tpu.memory_space<vmem>> -> memref<100xi32, #tpu.memory_space<vmem>>
    %dma_start3A_21 = arith.constant 0 : i32
    %dma_start3A_22 = arith.constant 0 : i32
    %dma_start3A_23 = tpu.memref_slice %arg3[%dma_start3A_21, %dma_start3A_22] : memref<1000000x64xf32, #tpu.memory_space<hbm>> -> memref<1000000x64xf32, #tpu.memory_space<hbm>>
    tpu.enqueue_indirect_dma source(%dma_start3A_23 : memref<1000000x64xf32, #tpu.memory_space<hbm>>) target(%dma_start3A_17 : memref<100x64xf32, #tpu.memory_space<vmem>>) offsets(%dma_start3A_20 : memref<100xi32, #tpu.memory_space<vmem>>) semaphore(%arg11 : memref<!tpu.dma_semaphore, #tpu.memory_space<semaphore_mem>>)
    %dma_start3A_24 = arith.constant 1 : i32
    %dma_start3A_25 = arith.constant 0 : i32
    %dma_start3A_26 = arith.constant 0 : i32
    %dma_start3A_27 = arith.constant 0 : i32
    %dma_start3A_28 = tpu.memref_slice %arg7[%dma_start3A_26, %dma_start3A_27] : memref<200x64xf32, #tpu.memory_space<vmem>> -> memref<100x64xf32, #tpu.memory_space<vmem>>
    %dma_start3A_29 = arith.constant 0 : i32
    %dma_start3A_30 = tpu.memref_slice %arg5[%dma_start3A_24, %dma_start3A_25, %dma_start3A_29] : memref<128x2x100xi32, #tpu.memory_space<vmem>> -> memref<1x1x100xi32, #tpu.memory_space<vmem>>
    %dma_start3A_31 = tpu.memref_squeeze %dma_start3A_30 : memref<1x1x100xi32, #tpu.memory_space<vmem>> -> memref<100xi32, #tpu.memory_space<vmem>>
    %dma_start3A_32 = arith.constant 0 : i32
    %dma_start3A_33 = arith.constant 0 : i32
    %dma_start3A_34 = tpu.memref_slice %arg3[%dma_start3A_32, %dma_start3A_33] : memref<1000000x64xf32, #tpu.memory_space<hbm>> -> memref<1000000x64xf32, #tpu.memory_space<hbm>>
    tpu.enqueue_indirect_dma source(%dma_start3A_34 : memref<1000000x64xf32, #tpu.memory_space<hbm>>) target(%dma_start3A_28 : memref<100x64xf32, #tpu.memory_space<vmem>>) offsets(%dma_start3A_31 : memref<100xi32, #tpu.memory_space<vmem>>) semaphore(%arg12 : memref<!tpu.dma_semaphore, #tpu.memory_space<semaphore_mem>>)
    %dma_start3A_35 = arith.constant 1 : i32
    %dma_start3A_36 = arith.constant 1 : i32
    %dma_start3A_37 = arith.constant 100 : i32
    %dma_start3A_38 = arith.constant 0 : i32
    %dma_start3A_39 = tpu.memref_slice %arg7[%dma_start3A_37, %dma_start3A_38] : memref<200x64xf32, #tpu.memory_space<vmem>> -> memref<100x64xf32, #tpu.memory_space<vmem>>
    %dma_start3A_40 = arith.constant 0 : i32
    %dma_start3A_41 = tpu.memref_slice %arg5[%dma_start3A_35, %dma_start3A_36, %dma_start3A_40] : memref<128x2x100xi32, #tpu.memory_space<vmem>> -> memref<1x1x100xi32, #tpu.memory_space<vmem>>
    %dma_start3A_42 = tpu.memref_squeeze %dma_start3A_41 : memref<1x1x100xi32, #tpu.memory_space<vmem>> -> memref<100xi32, #tpu.memory_space<vmem>>
    %dma_start3A_43 = arith.constant 0 : i32
    %dma_start3A_44 = arith.constant 0 : i32
    %dma_start3A_45 = tpu.memref_slice %arg3[%dma_start3A_43, %dma_start3A_44] : memref<1000000x64xf32, #tpu.memory_space<hbm>> -> memref<1000000x64xf32, #tpu.memory_space<hbm>>
    tpu.enqueue_indirect_dma source(%dma_start3A_45 : memref<1000000x64xf32, #tpu.memory_space<hbm>>) target(%dma_start3A_39 : memref<100x64xf32, #tpu.memory_space<vmem>>) offsets(%dma_start3A_42 : memref<100xi32, #tpu.memory_space<vmem>>) semaphore(%arg12 : memref<!tpu.dma_semaphore, #tpu.memory_space<semaphore_mem>>)
    %dma_start3A_46 = arith.constant 2 : i32
    %dma_start3A_47 = arith.constant 0 : i32
    %dma_start3A_48 = arith.constant 0 : i32
    %dma_start3A_49 = arith.constant 0 : i32
    %dma_start3A_50 = tpu.memref_slice %arg8[%dma_start3A_48, %dma_start3A_49] : memref<200x64xf32, #tpu.memory_space<vmem>> -> memref<100x64xf32, #tpu.memory_space<vmem>>
    %dma_start3A_51 = arith.constant 0 : i32
    %dma_start3A_52 = tpu.memref_slice %arg5[%dma_start3A_46, %dma_start3A_47, %dma_start3A_51] : memref<128x2x100xi32, #tpu.memory_space<vmem>> -> memref<1x1x100xi32, #tpu.memory_space<vmem>>
    %dma_start3A_53 = tpu.memref_squeeze %dma_start3A_52 : memref<1x1x100xi32, #tpu.memory_space<vmem>> -> memref<100xi32, #tpu.memory_space<vmem>>
    %dma_start3A_54 = arith.constant 0 : i32
    %dma_start3A_55 = arith.constant 0 : i32
    %dma_start3A_56 = tpu.memref_slice %arg3[%dma_start3A_54, %dma_start3A_55] : memref<1000000x64xf32, #tpu.memory_space<hbm>> -> memref<1000000x64xf32, #tpu.memory_space<hbm>>
    tpu.enqueue_indirect_dma source(%dma_start3A_56 : memref<1000000x64xf32, #tpu.memory_space<hbm>>) target(%dma_start3A_50 : memref<100x64xf32, #tpu.memory_space<vmem>>) offsets(%dma_start3A_53 : memref<100xi32, #tpu.memory_space<vmem>>) semaphore(%arg13 : memref<!tpu.dma_semaphore, #tpu.memory_space<semaphore_mem>>)
    %dma_start3A_57 = arith.constant 2 : i32
    %dma_start3A_58 = arith.constant 1 : i32
    %dma_start3A_59 = arith.constant 100 : i32
    %dma_start3A_60 = arith.constant 0 : i32
    %dma_start3A_61 = tpu.memref_slice %arg8[%dma_start3A_59, %dma_start3A_60] : memref<200x64xf32, #tpu.memory_space<vmem>> -> memref<100x64xf32, #tpu.memory_space<vmem>>
    %dma_start3A_62 = arith.constant 0 : i32
    %dma_start3A_63 = tpu.memref_slice %arg5[%dma_start3A_57, %dma_start3A_58, %dma_start3A_62] : memref<128x2x100xi32, #tpu.memory_space<vmem>> -> memref<1x1x100xi32, #tpu.memory_space<vmem>>
    %dma_start3A_64 = tpu.memref_squeeze %dma_start3A_63 : memref<1x1x100xi32, #tpu.memory_space<vmem>> -> memref<100xi32, #tpu.memory_space<vmem>>
    %dma_start3A_65 = arith.constant 0 : i32
    %dma_start3A_66 = arith.constant 0 : i32
    %dma_start3A_67 = tpu.memref_slice %arg3[%dma_start3A_65, %dma_start3A_66] : memref<1000000x64xf32, #tpu.memory_space<hbm>> -> memref<1000000x64xf32, #tpu.memory_space<hbm>>
    tpu.enqueue_indirect_dma source(%dma_start3A_67 : memref<1000000x64xf32, #tpu.memory_space<hbm>>) target(%dma_start3A_61 : memref<100x64xf32, #tpu.memory_space<vmem>>) offsets(%dma_start3A_64 : memref<100xi32, #tpu.memory_space<vmem>>) semaphore(%arg13 : memref<!tpu.dma_semaphore, #tpu.memory_space<semaphore_mem>>)
    %dma_start3A_68 = arith.constant 3 : i32
    %dma_start3A_69 = arith.constant 0 : i32
    %dma_start3A_70 = arith.constant 0 : i32
    %dma_start3A_71 = arith.constant 0 : i32
    %dma_start3A_72 = tpu.memref_slice %arg9[%dma_start3A_70, %dma_start3A_71] : memref<200x64xf32, #tpu.memory_space<vmem>> -> memref<100x64xf32, #tpu.memory_space<vmem>>
    %dma_start3A_73 = arith.constant 0 : i32
    %dma_start3A_74 = tpu.memref_slice %arg5[%dma_start3A_68, %dma_start3A_69, %dma_start3A_73] : memref<128x2x100xi32, #tpu.memory_space<vmem>> -> memref<1x1x100xi32, #tpu.memory_space<vmem>>
    %dma_start3A_75 = tpu.memref_squeeze %dma_start3A_74 : memref<1x1x100xi32, #tpu.memory_space<vmem>> -> memref<100xi32, #tpu.memory_space<vmem>>
    %dma_start3A_76 = arith.constant 0 : i32
    %dma_start3A_77 = arith.constant 0 : i32
    %dma_start3A_78 = tpu.memref_slice %arg3[%dma_start3A_76, %dma_start3A_77] : memref<1000000x64xf32, #tpu.memory_space<hbm>> -> memref<1000000x64xf32, #tpu.memory_space<hbm>>
    tpu.enqueue_indirect_dma source(%dma_start3A_78 : memref<1000000x64xf32, #tpu.memory_space<hbm>>) target(%dma_start3A_72 : memref<100x64xf32, #tpu.memory_space<vmem>>) offsets(%dma_start3A_75 : memref<100xi32, #tpu.memory_space<vmem>>) semaphore(%arg14 : memref<!tpu.dma_semaphore, #tpu.memory_space<semaphore_mem>>)
    %dma_start3A_79 = arith.constant 3 : i32
    %dma_start3A_80 = arith.constant 1 : i32
    %dma_start3A_81 = arith.constant 100 : i32
    %dma_start3A_82 = arith.constant 0 : i32
    %dma_start3A_83 = tpu.memref_slice %arg9[%dma_start3A_81, %dma_start3A_82] : memref<200x64xf32, #tpu.memory_space<vmem>> -> memref<100x64xf32, #tpu.memory_space<vmem>>
    %dma_start3A_84 = arith.constant 0 : i32
    %dma_start3A_85 = tpu.memref_slice %arg5[%dma_start3A_79, %dma_start3A_80, %dma_start3A_84] : memref<128x2x100xi32, #tpu.memory_space<vmem>> -> memref<1x1x100xi32, #tpu.memory_space<vmem>>
    %dma_start3A_86 = tpu.memref_squeeze %dma_start3A_85 : memref<1x1x100xi32, #tpu.memory_space<vmem>> -> memref<100xi32, #tpu.memory_space<vmem>>
    %dma_start3A_87 = arith.constant 0 : i32
    %dma_start3A_88 = arith.constant 0 : i32
    %dma_start3A_89 = tpu.memref_slice %arg3[%dma_start3A_87, %dma_start3A_88] : memref<1000000x64xf32, #tpu.memory_space<hbm>> -> memref<1000000x64xf32, #tpu.memory_space<hbm>>
    tpu.enqueue_indirect_dma source(%dma_start3A_89 : memref<1000000x64xf32, #tpu.memory_space<hbm>>) target(%dma_start3A_83 : memref<100x64xf32, #tpu.memory_space<vmem>>) offsets(%dma_start3A_86 : memref<100xi32, #tpu.memory_space<vmem>>) semaphore(%arg14 : memref<!tpu.dma_semaphore, #tpu.memory_space<semaphore_mem>>)
    %broadcast_in_dim3A = arith.constant 0.000000e+00 : f32
    %broadcast_in_dim3A_90 = vector.broadcast %broadcast_in_dim3A : f32 to vector<16xf32>
    %scan3A = arith.constant 0 : i32
    %scan3A_91 = arith.constant 0 : i32
    %scan3A_92 = arith.constant 32 : i32
    %scan3A_93 = arith.addi %scan3A_91, %scan3A_92 : i32
    %scan3A_94 = arith.constant 1 : i32
    scf.for %scan3A_96 = %scan3A_91 to %scan3A_93 step %scan3A_94  : i32 {
      %mul3A_97 = arith.constant 4 : i32
      %mul3A_98 = arith.muli %scan3A_96, %mul3A_97 : i32
      %add3A_99 = arith.constant 0 : i32
      %add3A_100 = arith.addi %mul3A_98, %add3A_99 : i32
      %dma_wait3A = arith.constant 0 : i32
      %dma_wait3A_101 = arith.constant 0 : i32
      %dma_wait3A_102 = arith.constant 0 : i32
      %dma_wait3A_103 = tpu.memref_slice %arg6[%dma_wait3A_101, %dma_wait3A_102] : memref<200x64xf32, #tpu.memory_space<vmem>> -> memref<100x64xf32, #tpu.memory_space<vmem>>
      %dma_wait3A_104 = arith.constant 0 : i32
      %dma_wait3A_105 = tpu.memref_slice %arg5[%add3A_100, %dma_wait3A, %dma_wait3A_104] : memref<128x2x100xi32, #tpu.memory_space<vmem>> -> memref<1x1x100xi32, #tpu.memory_space<vmem>>
      %dma_wait3A_106 = tpu.memref_squeeze %dma_wait3A_105 : memref<1x1x100xi32, #tpu.memory_space<vmem>> -> memref<100xi32, #tpu.memory_space<vmem>>
      %dma_wait3A_107 = arith.constant 0 : i32
      %dma_wait3A_108 = arith.constant 0 : i32
      %dma_wait3A_109 = tpu.memref_slice %arg3[%dma_wait3A_107, %dma_wait3A_108] : memref<1000000x64xf32, #tpu.memory_space<hbm>> -> memref<1000000x64xf32, #tpu.memory_space<hbm>>
      tpu.wait_indirect_dma semaphore(%arg11 : memref<!tpu.dma_semaphore, #tpu.memory_space<semaphore_mem>>) src(%dma_wait3A_109 : memref<1000000x64xf32, #tpu.memory_space<hbm>>) dst(%dma_wait3A_103 : memref<100x64xf32, #tpu.memory_space<vmem>>)
      %dma_wait3A_110 = arith.constant 1 : i32
      %dma_wait3A_111 = arith.constant 100 : i32
      %dma_wait3A_112 = arith.constant 0 : i32
      %dma_wait3A_113 = tpu.memref_slice %arg6[%dma_wait3A_111, %dma_wait3A_112] : memref<200x64xf32, #tpu.memory_space<vmem>> -> memref<100x64xf32, #tpu.memory_space<vmem>>
      %dma_wait3A_114 = arith.constant 0 : i32
      %dma_wait3A_115 = tpu.memref_slice %arg5[%add3A_100, %dma_wait3A_110, %dma_wait3A_114] : memref<128x2x100xi32, #tpu.memory_space<vmem>> -> memref<1x1x100xi32, #tpu.memory_space<vmem>>
      %dma_wait3A_116 = tpu.memref_squeeze %dma_wait3A_115 : memref<1x1x100xi32, #tpu.memory_space<vmem>> -> memref<100xi32, #tpu.memory_space<vmem>>
      %dma_wait3A_117 = arith.constant 0 : i32
      %dma_wait3A_118 = arith.constant 0 : i32
      %dma_wait3A_119 = tpu.memref_slice %arg3[%dma_wait3A_117, %dma_wait3A_118] : memref<1000000x64xf32, #tpu.memory_space<hbm>> -> memref<1000000x64xf32, #tpu.memory_space<hbm>>
      tpu.wait_indirect_dma semaphore(%arg11 : memref<!tpu.dma_semaphore, #tpu.memory_space<semaphore_mem>>) src(%dma_wait3A_119 : memref<1000000x64xf32, #tpu.memory_space<hbm>>) dst(%dma_wait3A_113 : memref<100x64xf32, #tpu.memory_space<vmem>>)
      %scan3A_120 = arith.constant 0 : i32
      %scan3A_121 = arith.constant 25 : i32
      %scan3A_122 = arith.addi %scan3A_120, %scan3A_121 : i32
      %scan3A_123 = arith.constant 1 : i32
      %scan3A_124:4 = scf.for %scan3A_320 = %scan3A_120 to %scan3A_122 step %scan3A_123 iter_args(%scan3A_321 = %broadcast_in_dim3A_90, %scan3A_322 = %broadcast_in_dim3A_90, %scan3A_323 = %broadcast_in_dim3A_90, %scan3A_324 = %broadcast_in_dim3A_90) -> (vector<16xf32>, vector<16xf32>, vector<16xf32>, vector<16xf32>)  : i32 {
        %mul3A_325 = arith.constant 8 : i32
        %mul3A_326 = arith.muli %scan3A_320, %mul3A_325 : i32
        %add3A_327 = arith.constant 0 : i32
        %add3A_328 = arith.addi %mul3A_326, %add3A_327 : i32
        %get3A = arith.index_cast %add3A_328 : i32 to index
        %get3A_329 = arith.constant 0 : index
        %get3A_330 = tpu.vector_load %arg6[%get3A, %get3A_329] {strides = array<i32>} : memref<200x64xf32, #tpu.memory_space<vmem>>, vector<1x16xf32>,
        %get3A_331 = vector.shape_cast %get3A_330 : vector<1x16xf32> to vector<16xf32>
        %add3A_332 = arith.constant 1 : i32
        %add3A_333 = arith.addi %mul3A_326, %add3A_332 : i32
        %get3A_334 = arith.index_cast %add3A_333 : i32 to index
        %get3A_335 = arith.constant 0 : index
        %get3A_336 = tpu.vector_load %arg6[%get3A_334, %get3A_335] {strides = array<i32>} : memref<200x64xf32, #tpu.memory_space<vmem>>, vector<1x16xf32>,
        %get3A_337 = vector.shape_cast %get3A_336 : vector<1x16xf32> to vector<16xf32>
        %add3A_338 = arith.constant 2 : i32
        %add3A_339 = arith.addi %mul3A_326, %add3A_338 : i32
        %get3A_340 = arith.index_cast %add3A_339 : i32 to index
        %get3A_341 = arith.constant 0 : index
        %get3A_342 = tpu.vector_load %arg6[%get3A_340, %get3A_341] {strides = array<i32>} : memref<200x64xf32, #tpu.memory_space<vmem>>, vector<1x16xf32>,
        %get3A_343 = vector.shape_cast %get3A_342 : vector<1x16xf32> to vector<16xf32>
        %add3A_344 = arith.constant 3 : i32
        %add3A_345 = arith.addi %mul3A_326, %add3A_344 : i32
        %get3A_346 = arith.index_cast %add3A_345 : i32 to index
        %get3A_347 = arith.constant 0 : index
        %get3A_348 = tpu.vector_load %arg6[%get3A_346, %get3A_347] {strides = array<i32>} : memref<200x64xf32, #tpu.memory_space<vmem>>, vector<1x16xf32>,
        %get3A_349 = vector.shape_cast %get3A_348 : vector<1x16xf32> to vector<16xf32>
        %add3A_350 = arith.constant 4 : i32
        %add3A_351 = arith.addi %mul3A_326, %add3A_350 : i32
        %get3A_352 = arith.index_cast %add3A_351 : i32 to index
        %get3A_353 = arith.constant 0 : index
        %get3A_354 = tpu.vector_load %arg6[%get3A_352, %get3A_353] {strides = array<i32>} : memref<200x64xf32, #tpu.memory_space<vmem>>, vector<1x16xf32>,
        %get3A_355 = vector.shape_cast %get3A_354 : vector<1x16xf32> to vector<16xf32>
        %add3A_356 = arith.constant 5 : i32
        %add3A_357 = arith.addi %mul3A_326, %add3A_356 : i32
        %get3A_358 = arith.index_cast %add3A_357 : i32 to index
        %get3A_359 = arith.constant 0 : index
        %get3A_360 = tpu.vector_load %arg6[%get3A_358, %get3A_359] {strides = array<i32>} : memref<200x64xf32, #tpu.memory_space<vmem>>, vector<1x16xf32>,
        %get3A_361 = vector.shape_cast %get3A_360 : vector<1x16xf32> to vector<16xf32>
        %add3A_362 = arith.constant 6 : i32
        %add3A_363 = arith.addi %mul3A_326, %add3A_362 : i32
        %get3A_364 = arith.index_cast %add3A_363 : i32 to index
        %get3A_365 = arith.constant 0 : index
        %get3A_366 = tpu.vector_load %arg6[%get3A_364, %get3A_365] {strides = array<i32>} : memref<200x64xf32, #tpu.memory_space<vmem>>, vector<1x16xf32>,
        %get3A_367 = vector.shape_cast %get3A_366 : vector<1x16xf32> to vector<16xf32>
        %add3A_368 = arith.constant 7 : i32
        %add3A_369 = arith.addi %mul3A_326, %add3A_368 : i32
        %get3A_370 = arith.index_cast %add3A_369 : i32 to index
        %get3A_371 = arith.constant 0 : index
        %get3A_372 = tpu.vector_load %arg6[%get3A_370, %get3A_371] {strides = array<i32>} : memref<200x64xf32, #tpu.memory_space<vmem>>, vector<1x16xf32>,
        %get3A_373 = vector.shape_cast %get3A_372 : vector<1x16xf32> to vector<16xf32>
        %add3A_374 = arith.addf %get3A_331, %get3A_337 : vector<16xf32>
        %add3A_375 = arith.addf %get3A_343, %get3A_349 : vector<16xf32>
        %add3A_376 = arith.addf %get3A_355, %get3A_361 : vector<16xf32>
        %add3A_377 = arith.addf %get3A_367, %get3A_373 : vector<16xf32>
        %add3A_378 = arith.addf %add3A_374, %add3A_375 : vector<16xf32>
        %add3A_379 = arith.addf %add3A_376, %add3A_377 : vector<16xf32>
        %add3A_380 = arith.addf %add3A_378, %add3A_379 : vector<16xf32>
        %add3A_381 = arith.addf %scan3A_321, %add3A_380 : vector<16xf32>
        %add3A_382 = arith.constant 0 : i32
        %add3A_383 = arith.addi %mul3A_326, %add3A_382 : i32
        %get3A_384 = arith.index_cast %add3A_383 : i32 to index
        %get3A_385 = arith.constant 16 : index
        %get3A_386 = tpu.vector_load %arg6[%get3A_384, %get3A_385] {strides = array<i32>} : memref<200x64xf32, #tpu.memory_space<vmem>>, vector<1x16xf32>,
        %get3A_387 = vector.shape_cast %get3A_386 : vector<1x16xf32> to vector<16xf32>
        %add3A_388 = arith.constant 1 : i32
        %add3A_389 = arith.addi %mul3A_326, %add3A_388 : i32
        %get3A_390 = arith.index_cast %add3A_389 : i32 to index
        %get3A_391 = arith.constant 16 : index
        %get3A_392 = tpu.vector_load %arg6[%get3A_390, %get3A_391] {strides = array<i32>} : memref<200x64xf32, #tpu.memory_space<vmem>>, vector<1x16xf32>,
        %get3A_393 = vector.shape_cast %get3A_392 : vector<1x16xf32> to vector<16xf32>
        %add3A_394 = arith.constant 2 : i32
        %add3A_395 = arith.addi %mul3A_326, %add3A_394 : i32
        %get3A_396 = arith.index_cast %add3A_395 : i32 to index
        %get3A_397 = arith.constant 16 : index
        %get3A_398 = tpu.vector_load %arg6[%get3A_396, %get3A_397] {strides = array<i32>} : memref<200x64xf32, #tpu.memory_space<vmem>>, vector<1x16xf32>,
        %get3A_399 = vector.shape_cast %get3A_398 : vector<1x16xf32> to vector<16xf32>
        %add3A_400 = arith.constant 3 : i32
        %add3A_401 = arith.addi %mul3A_326, %add3A_400 : i32
        %get3A_402 = arith.index_cast %add3A_401 : i32 to index
        %get3A_403 = arith.constant 16 : index
        %get3A_404 = tpu.vector_load %arg6[%get3A_402, %get3A_403] {strides = array<i32>} : memref<200x64xf32, #tpu.memory_space<vmem>>, vector<1x16xf32>,
        %get3A_405 = vector.shape_cast %get3A_404 : vector<1x16xf32> to vector<16xf32>
        %add3A_406 = arith.constant 4 : i32
        %add3A_407 = arith.addi %mul3A_326, %add3A_406 : i32
        %get3A_408 = arith.index_cast %add3A_407 : i32 to index
        %get3A_409 = arith.constant 16 : index
        %get3A_410 = tpu.vector_load %arg6[%get3A_408, %get3A_409] {strides = array<i32>} : memref<200x64xf32, #tpu.memory_space<vmem>>, vector<1x16xf32>,
        %get3A_411 = vector.shape_cast %get3A_410 : vector<1x16xf32> to vector<16xf32>
        %add3A_412 = arith.constant 5 : i32
        %add3A_413 = arith.addi %mul3A_326, %add3A_412 : i32
        %get3A_414 = arith.index_cast %add3A_413 : i32 to index
        %get3A_415 = arith.constant 16 : index
        %get3A_416 = tpu.vector_load %arg6[%get3A_414, %get3A_415] {strides = array<i32>} : memref<200x64xf32, #tpu.memory_space<vmem>>, vector<1x16xf32>,
        %get3A_417 = vector.shape_cast %get3A_416 : vector<1x16xf32> to vector<16xf32>
        %add3A_418 = arith.constant 6 : i32
        %add3A_419 = arith.addi %mul3A_326, %add3A_418 : i32
        %get3A_420 = arith.index_cast %add3A_419 : i32 to index
        %get3A_421 = arith.constant 16 : index
        %get3A_422 = tpu.vector_load %arg6[%get3A_420, %get3A_421] {strides = array<i32>} : memref<200x64xf32, #tpu.memory_space<vmem>>, vector<1x16xf32>,
        %get3A_423 = vector.shape_cast %get3A_422 : vector<1x16xf32> to vector<16xf32>
        %add3A_424 = arith.constant 7 : i32
        %add3A_425 = arith.addi %mul3A_326, %add3A_424 : i32
        %get3A_426 = arith.index_cast %add3A_425 : i32 to index
        %get3A_427 = arith.constant 16 : index
        %get3A_428 = tpu.vector_load %arg6[%get3A_426, %get3A_427] {strides = array<i32>} : memref<200x64xf32, #tpu.memory_space<vmem>>, vector<1x16xf32>,
        %get3A_429 = vector.shape_cast %get3A_428 : vector<1x16xf32> to vector<16xf32>
        %add3A_430 = arith.addf %get3A_387, %get3A_393 : vector<16xf32>
        %add3A_431 = arith.addf %get3A_399, %get3A_405 : vector<16xf32>
        %add3A_432 = arith.addf %get3A_411, %get3A_417 : vector<16xf32>
        %add3A_433 = arith.addf %get3A_423, %get3A_429 : vector<16xf32>
        %add3A_434 = arith.addf %add3A_430, %add3A_431 : vector<16xf32>
        %add3A_435 = arith.addf %add3A_432, %add3A_433 : vector<16xf32>
        %add3A_436 = arith.addf %add3A_434, %add3A_435 : vector<16xf32>
        %add3A_437 = arith.addf %scan3A_322, %add3A_436 : vector<16xf32>
        %add3A_438 = arith.constant 0 : i32
        %add3A_439 = arith.addi %mul3A_326, %add3A_438 : i32
        %get3A_440 = arith.index_cast %add3A_439 : i32 to index
        %get3A_441 = arith.constant 32 : index
        %get3A_442 = tpu.vector_load %arg6[%get3A_440, %get3A_441] {strides = array<i32>} : memref<200x64xf32, #tpu.memory_space<vmem>>, vector<1x16xf32>,
        %get3A_443 = vector.shape_cast %get3A_442 : vector<1x16xf32> to vector<16xf32>
        %add3A_444 = arith.constant 1 : i32
        %add3A_445 = arith.addi %mul3A_326, %add3A_444 : i32
        %get3A_446 = arith.index_cast %add3A_445 : i32 to index
        %get3A_447 = arith.constant 32 : index
        %get3A_448 = tpu.vector_load %arg6[%get3A_446, %get3A_447] {strides = array<i32>} : memref<200x64xf32, #tpu.memory_space<vmem>>, vector<1x16xf32>,
        %get3A_449 = vector.shape_cast %get3A_448 : vector<1x16xf32> to vector<16xf32>
        %add3A_450 = arith.constant 2 : i32
        %add3A_451 = arith.addi %mul3A_326, %add3A_450 : i32
        %get3A_452 = arith.index_cast %add3A_451 : i32 to index
        %get3A_453 = arith.constant 32 : index
        %get3A_454 = tpu.vector_load %arg6[%get3A_452, %get3A_453] {strides = array<i32>} : memref<200x64xf32, #tpu.memory_space<vmem>>, vector<1x16xf32>,
        %get3A_455 = vector.shape_cast %get3A_454 : vector<1x16xf32> to vector<16xf32>
        %add3A_456 = arith.constant 3 : i32
        %add3A_457 = arith.addi %mul3A_326, %add3A_456 : i32
        %get3A_458 = arith.index_cast %add3A_457 : i32 to index
        %get3A_459 = arith.constant 32 : index
        %get3A_460 = tpu.vector_load %arg6[%get3A_458, %get3A_459] {strides = array<i32>} : memref<200x64xf32, #tpu.memory_space<vmem>>, vector<1x16xf32>,
        %get3A_461 = vector.shape_cast %get3A_460 : vector<1x16xf32> to vector<16xf32>
        %add3A_462 = arith.constant 4 : i32
        %add3A_463 = arith.addi %mul3A_326, %add3A_462 : i32
        %get3A_464 = arith.index_cast %add3A_463 : i32 to index
        %get3A_465 = arith.constant 32 : index
        %get3A_466 = tpu.vector_load %arg6[%get3A_464, %get3A_465] {strides = array<i32>} : memref<200x64xf32, #tpu.memory_space<vmem>>, vector<1x16xf32>,
        %get3A_467 = vector.shape_cast %get3A_466 : vector<1x16xf32> to vector<16xf32>
        %add3A_468 = arith.constant 5 : i32
        %add3A_469 = arith.addi %mul3A_326, %add3A_468 : i32
        %get3A_470 = arith.index_cast %add3A_469 : i32 to index
        %get3A_471 = arith.constant 32 : index
        %get3A_472 = tpu.vector_load %arg6[%get3A_470, %get3A_471] {strides = array<i32>} : memref<200x64xf32, #tpu.memory_space<vmem>>, vector<1x16xf32>,
        %get3A_473 = vector.shape_cast %get3A_472 : vector<1x16xf32> to vector<16xf32>
        %add3A_474 = arith.constant 6 : i32
        %add3A_475 = arith.addi %mul3A_326, %add3A_474 : i32
        %get3A_476 = arith.index_cast %add3A_475 : i32 to index
        %get3A_477 = arith.constant 32 : index
        %get3A_478 = tpu.vector_load %arg6[%get3A_476, %get3A_477] {strides = array<i32>} : memref<200x64xf32, #tpu.memory_space<vmem>>, vector<1x16xf32>,
        %get3A_479 = vector.shape_cast %get3A_478 : vector<1x16xf32> to vector<16xf32>
        %add3A_480 = arith.constant 7 : i32
        %add3A_481 = arith.addi %mul3A_326, %add3A_480 : i32
        %get3A_482 = arith.index_cast %add3A_481 : i32 to index
        %get3A_483 = arith.constant 32 : index
        %get3A_484 = tpu.vector_load %arg6[%get3A_482, %get3A_483] {strides = array<i32>} : memref<200x64xf32, #tpu.memory_space<vmem>>, vector<1x16xf32>,
        %get3A_485 = vector.shape_cast %get3A_484 : vector<1x16xf32> to vector<16xf32>
        %add3A_486 = arith.addf %get3A_443, %get3A_449 : vector<16xf32>
        %add3A_487 = arith.addf %get3A_455, %get3A_461 : vector<16xf32>
        %add3A_488 = arith.addf %get3A_467, %get3A_473 : vector<16xf32>
        %add3A_489 = arith.addf %get3A_479, %get3A_485 : vector<16xf32>
        %add3A_490 = arith.addf %add3A_486, %add3A_487 : vector<16xf32>
        %add3A_491 = arith.addf %add3A_488, %add3A_489 : vector<16xf32>
        %add3A_492 = arith.addf %add3A_490, %add3A_491 : vector<16xf32>
        %add3A_493 = arith.addf %scan3A_323, %add3A_492 : vector<16xf32>
        %add3A_494 = arith.constant 0 : i32
        %add3A_495 = arith.addi %mul3A_326, %add3A_494 : i32
        %get3A_496 = arith.index_cast %add3A_495 : i32 to index
        %get3A_497 = arith.constant 48 : index
        %get3A_498 = tpu.vector_load %arg6[%get3A_496, %get3A_497] {strides = array<i32>} : memref<200x64xf32, #tpu.memory_space<vmem>>, vector<1x16xf32>,
        %get3A_499 = vector.shape_cast %get3A_498 : vector<1x16xf32> to vector<16xf32>
        %add3A_500 = arith.constant 1 : i32
        %add3A_501 = arith.addi %mul3A_326, %add3A_500 : i32
        %get3A_502 = arith.index_cast %add3A_501 : i32 to index
        %get3A_503 = arith.constant 48 : index
        %get3A_504 = tpu.vector_load %arg6[%get3A_502, %get3A_503] {strides = array<i32>} : memref<200x64xf32, #tpu.memory_space<vmem>>, vector<1x16xf32>,
        %get3A_505 = vector.shape_cast %get3A_504 : vector<1x16xf32> to vector<16xf32>
        %add3A_506 = arith.constant 2 : i32
        %add3A_507 = arith.addi %mul3A_326, %add3A_506 : i32
        %get3A_508 = arith.index_cast %add3A_507 : i32 to index
        %get3A_509 = arith.constant 48 : index
        %get3A_510 = tpu.vector_load %arg6[%get3A_508, %get3A_509] {strides = array<i32>} : memref<200x64xf32, #tpu.memory_space<vmem>>, vector<1x16xf32>,
        %get3A_511 = vector.shape_cast %get3A_510 : vector<1x16xf32> to vector<16xf32>
        %add3A_512 = arith.constant 3 : i32
        %add3A_513 = arith.addi %mul3A_326, %add3A_512 : i32
        %get3A_514 = arith.index_cast %add3A_513 : i32 to index
        %get3A_515 = arith.constant 48 : index
        %get3A_516 = tpu.vector_load %arg6[%get3A_514, %get3A_515] {strides = array<i32>} : memref<200x64xf32, #tpu.memory_space<vmem>>, vector<1x16xf32>,
        %get3A_517 = vector.shape_cast %get3A_516 : vector<1x16xf32> to vector<16xf32>
        %add3A_518 = arith.constant 4 : i32
        %add3A_519 = arith.addi %mul3A_326, %add3A_518 : i32
        %get3A_520 = arith.index_cast %add3A_519 : i32 to index
        %get3A_521 = arith.constant 48 : index
        %get3A_522 = tpu.vector_load %arg6[%get3A_520, %get3A_521] {strides = array<i32>} : memref<200x64xf32, #tpu.memory_space<vmem>>, vector<1x16xf32>,
        %get3A_523 = vector.shape_cast %get3A_522 : vector<1x16xf32> to vector<16xf32>
        %add3A_524 = arith.constant 5 : i32
        %add3A_525 = arith.addi %mul3A_326, %add3A_524 : i32
        %get3A_526 = arith.index_cast %add3A_525 : i32 to index
        %get3A_527 = arith.constant 48 : index
        %get3A_528 = tpu.vector_load %arg6[%get3A_526, %get3A_527] {strides = array<i32>} : memref<200x64xf32, #tpu.memory_space<vmem>>, vector<1x16xf32>,
        %get3A_529 = vector.shape_cast %get3A_528 : vector<1x16xf32> to vector<16xf32>
        %add3A_530 = arith.constant 6 : i32
        %add3A_531 = arith.addi %mul3A_326, %add3A_530 : i32
        %get3A_532 = arith.index_cast %add3A_531 : i32 to index
        %get3A_533 = arith.constant 48 : index
        %get3A_534 = tpu.vector_load %arg6[%get3A_532, %get3A_533] {strides = array<i32>} : memref<200x64xf32, #tpu.memory_space<vmem>>, vector<1x16xf32>,
        %get3A_535 = vector.shape_cast %get3A_534 : vector<1x16xf32> to vector<16xf32>
        %add3A_536 = arith.constant 7 : i32
        %add3A_537 = arith.addi %mul3A_326, %add3A_536 : i32
        %get3A_538 = arith.index_cast %add3A_537 : i32 to index
        %get3A_539 = arith.constant 48 : index
        %get3A_540 = tpu.vector_load %arg6[%get3A_538, %get3A_539] {strides = array<i32>} : memref<200x64xf32, #tpu.memory_space<vmem>>, vector<1x16xf32>,
        %get3A_541 = vector.shape_cast %get3A_540 : vector<1x16xf32> to vector<16xf32>
        %add3A_542 = arith.addf %get3A_499, %get3A_505 : vector<16xf32>
        %add3A_543 = arith.addf %get3A_511, %get3A_517 : vector<16xf32>
        %add3A_544 = arith.addf %get3A_523, %get3A_529 : vector<16xf32>
        %add3A_545 = arith.addf %get3A_535, %get3A_541 : vector<16xf32>
        %add3A_546 = arith.addf %add3A_542, %add3A_543 : vector<16xf32>
        %add3A_547 = arith.addf %add3A_544, %add3A_545 : vector<16xf32>
        %add3A_548 = arith.addf %add3A_546, %add3A_547 : vector<16xf32>
        %add3A_549 = arith.addf %scan3A_324, %add3A_548 : vector<16xf32>
        scf.yield %add3A_381, %add3A_437, %add3A_493, %add3A_549 : vector<16xf32>, vector<16xf32>, vector<16xf32>, vector<16xf32>
      }
      %scan3A_125 = arith.constant 25 : i32
      %swap3A = arith.index_cast %add3A_100 : i32 to index
      %swap3A_126 = arith.constant 0 : index
      %swap3A_127 = tpu.vector_load %arg10[%swap3A, %swap3A_126] {strides = array<i32>} : memref<128x64xf32, #tpu.memory_space<vmem>>, vector<1x16xf32>,
      %swap3A_128 = vector.shape_cast %swap3A_127 : vector<1x16xf32> to vector<16xf32>
      %swap3A_129 = vector.shape_cast %scan3A_124#0 : vector<16xf32> to vector<1x16xf32>
      tpu.vector_store %arg10[%swap3A, %swap3A_126], %swap3A_129 {strides = array<i32>} : memref<128x64xf32, #tpu.memory_space<vmem>>, vector<1x16xf32>,
      %swap3A_130 = arith.index_cast %add3A_100 : i32 to index
      %swap3A_131 = arith.constant 16 : index
      %swap3A_132 = tpu.vector_load %arg10[%swap3A_130, %swap3A_131] {strides = array<i32>} : memref<128x64xf32, #tpu.memory_space<vmem>>, vector<1x16xf32>,
      %swap3A_133 = vector.shape_cast %swap3A_132 : vector<1x16xf32> to vector<16xf32>
      %swap3A_134 = vector.shape_cast %scan3A_124#1 : vector<16xf32> to vector<1x16xf32>
      tpu.vector_store %arg10[%swap3A_130, %swap3A_131], %swap3A_134 {strides = array<i32>} : memref<128x64xf32, #tpu.memory_space<vmem>>, vector<1x16xf32>,
      %swap3A_135 = arith.index_cast %add3A_100 : i32 to index
      %swap3A_136 = arith.constant 32 : index
      %swap3A_137 = tpu.vector_load %arg10[%swap3A_135, %swap3A_136] {strides = array<i32>} : memref<128x64xf32, #tpu.memory_space<vmem>>, vector<1x16xf32>,
      %swap3A_138 = vector.shape_cast %swap3A_137 : vector<1x16xf32> to vector<16xf32>
      %swap3A_139 = vector.shape_cast %scan3A_124#2 : vector<16xf32> to vector<1x16xf32>
      tpu.vector_store %arg10[%swap3A_135, %swap3A_136], %swap3A_139 {strides = array<i32>} : memref<128x64xf32, #tpu.memory_space<vmem>>, vector<1x16xf32>,
      %swap3A_140 = arith.index_cast %add3A_100 : i32 to index
      %swap3A_141 = arith.constant 48 : index
      %swap3A_142 = tpu.vector_load %arg10[%swap3A_140, %swap3A_141] {strides = array<i32>} : memref<128x64xf32, #tpu.memory_space<vmem>>, vector<1x16xf32>,
      %swap3A_143 = vector.shape_cast %swap3A_142 : vector<1x16xf32> to vector<16xf32>
      %swap3A_144 = vector.shape_cast %scan3A_124#3 : vector<16xf32> to vector<1x16xf32>
      tpu.vector_store %arg10[%swap3A_140, %swap3A_141], %swap3A_144 {strides = array<i32>} : memref<128x64xf32, #tpu.memory_space<vmem>>, vector<1x16xf32>,
      %add3A_145 = arith.constant 4 : i32
      %add3A_146 = arith.addi %add3A_100, %add3A_145 : i32
      %lt3A = arith.constant 128 : i32
      %lt3A_147 = arith.cmpi slt, %add3A_146, %lt3A : i32
      %convert_element_type3A = arith.extui %lt3A_147 : i1 to i32
      %cond3A = arith.constant 0 : i32
      %cond3A_148 = arith.cmpi ne, %convert_element_type3A, %cond3A : i32
      scf.if %cond3A_148 {
        %dma_start3A_320 = arith.constant 0 : i32
        %dma_start3A_321 = arith.constant 0 : i32
        %dma_start3A_322 = arith.constant 0 : i32
        %dma_start3A_323 = tpu.memref_slice %arg6[%dma_start3A_321, %dma_start3A_322] : memref<200x64xf32, #tpu.memory_space<vmem>> -> memref<100x64xf32, #tpu.memory_space<vmem>>
        %dma_start3A_324 = arith.constant 0 : i32
        %dma_start3A_325 = tpu.memref_slice %arg5[%add3A_146, %dma_start3A_320, %dma_start3A_324] : memref<128x2x100xi32, #tpu.memory_space<vmem>> -> memref<1x1x100xi32, #tpu.memory_space<vmem>>
        %dma_start3A_326 = tpu.memref_squeeze %dma_start3A_325 : memref<1x1x100xi32, #tpu.memory_space<vmem>> -> memref<100xi32, #tpu.memory_space<vmem>>
        %dma_start3A_327 = arith.constant 0 : i32
        %dma_start3A_328 = arith.constant 0 : i32
        %dma_start3A_329 = tpu.memref_slice %arg3[%dma_start3A_327, %dma_start3A_328] : memref<1000000x64xf32, #tpu.memory_space<hbm>> -> memref<1000000x64xf32, #tpu.memory_space<hbm>>
        tpu.enqueue_indirect_dma source(%dma_start3A_329 : memref<1000000x64xf32, #tpu.memory_space<hbm>>) target(%dma_start3A_323 : memref<100x64xf32, #tpu.memory_space<vmem>>) offsets(%dma_start3A_326 : memref<100xi32, #tpu.memory_space<vmem>>) semaphore(%arg11 : memref<!tpu.dma_semaphore, #tpu.memory_space<semaphore_mem>>)
        %dma_start3A_330 = arith.constant 1 : i32
        %dma_start3A_331 = arith.constant 100 : i32
        %dma_start3A_332 = arith.constant 0 : i32
        %dma_start3A_333 = tpu.memref_slice %arg6[%dma_start3A_331, %dma_start3A_332] : memref<200x64xf32, #tpu.memory_space<vmem>> -> memref<100x64xf32, #tpu.memory_space<vmem>>
        %dma_start3A_334 = arith.constant 0 : i32
        %dma_start3A_335 = tpu.memref_slice %arg5[%add3A_146, %dma_start3A_330, %dma_start3A_334] : memref<128x2x100xi32, #tpu.memory_space<vmem>> -> memref<1x1x100xi32, #tpu.memory_space<vmem>>
        %dma_start3A_336 = tpu.memref_squeeze %dma_start3A_335 : memref<1x1x100xi32, #tpu.memory_space<vmem>> -> memref<100xi32, #tpu.memory_space<vmem>>
        %dma_start3A_337 = arith.constant 0 : i32
        %dma_start3A_338 = arith.constant 0 : i32
        %dma_start3A_339 = tpu.memref_slice %arg3[%dma_start3A_337, %dma_start3A_338] : memref<1000000x64xf32, #tpu.memory_space<hbm>> -> memref<1000000x64xf32, #tpu.memory_space<hbm>>
        tpu.enqueue_indirect_dma source(%dma_start3A_339 : memref<1000000x64xf32, #tpu.memory_space<hbm>>) target(%dma_start3A_333 : memref<100x64xf32, #tpu.memory_space<vmem>>) offsets(%dma_start3A_336 : memref<100xi32, #tpu.memory_space<vmem>>) semaphore(%arg11 : memref<!tpu.dma_semaphore, #tpu.memory_space<semaphore_mem>>)
      } else {
      }
      %mul3A_149 = arith.constant 4 : i32
      %mul3A_150 = arith.muli %scan3A_96, %mul3A_149 : i32
      %add3A_151 = arith.constant 1 : i32
      %add3A_152 = arith.addi %mul3A_150, %add3A_151 : i32
      %dma_wait3A_153 = arith.constant 0 : i32
      %dma_wait3A_154 = arith.constant 0 : i32
      %dma_wait3A_155 = arith.constant 0 : i32
      %dma_wait3A_156 = tpu.memref_slice %arg7[%dma_wait3A_154, %dma_wait3A_155] : memref<200x64xf32, #tpu.memory_space<vmem>> -> memref<100x64xf32, #tpu.memory_space<vmem>>
      %dma_wait3A_157 = arith.constant 0 : i32
      %dma_wait3A_158 = tpu.memref_slice %arg5[%add3A_152, %dma_wait3A_153, %dma_wait3A_157] : memref<128x2x100xi32, #tpu.memory_space<vmem>> -> memref<1x1x100xi32, #tpu.memory_space<vmem>>
      %dma_wait3A_159 = tpu.memref_squeeze %dma_wait3A_158 : memref<1x1x100xi32, #tpu.memory_space<vmem>> -> memref<100xi32, #tpu.memory_space<vmem>>
      %dma_wait3A_160 = arith.constant 0 : i32
      %dma_wait3A_161 = arith.constant 0 : i32
      %dma_wait3A_162 = tpu.memref_slice %arg3[%dma_wait3A_160, %dma_wait3A_161] : memref<1000000x64xf32, #tpu.memory_space<hbm>> -> memref<1000000x64xf32, #tpu.memory_space<hbm>>
      tpu.wait_indirect_dma semaphore(%arg12 : memref<!tpu.dma_semaphore, #tpu.memory_space<semaphore_mem>>) src(%dma_wait3A_162 : memref<1000000x64xf32, #tpu.memory_space<hbm>>) dst(%dma_wait3A_156 : memref<100x64xf32, #tpu.memory_space<vmem>>)
      %dma_wait3A_163 = arith.constant 1 : i32
      %dma_wait3A_164 = arith.constant 100 : i32
      %dma_wait3A_165 = arith.constant 0 : i32
      %dma_wait3A_166 = tpu.memref_slice %arg7[%dma_wait3A_164, %dma_wait3A_165] : memref<200x64xf32, #tpu.memory_space<vmem>> -> memref<100x64xf32, #tpu.memory_space<vmem>>
      %dma_wait3A_167 = arith.constant 0 : i32
      %dma_wait3A_168 = tpu.memref_slice %arg5[%add3A_152, %dma_wait3A_163, %dma_wait3A_167] : memref<128x2x100xi32, #tpu.memory_space<vmem>> -> memref<1x1x100xi32, #tpu.memory_space<vmem>>
      %dma_wait3A_169 = tpu.memref_squeeze %dma_wait3A_168 : memref<1x1x100xi32, #tpu.memory_space<vmem>> -> memref<100xi32, #tpu.memory_space<vmem>>
      %dma_wait3A_170 = arith.constant 0 : i32
      %dma_wait3A_171 = arith.constant 0 : i32
      %dma_wait3A_172 = tpu.memref_slice %arg3[%dma_wait3A_170, %dma_wait3A_171] : memref<1000000x64xf32, #tpu.memory_space<hbm>> -> memref<1000000x64xf32, #tpu.memory_space<hbm>>
      tpu.wait_indirect_dma semaphore(%arg12 : memref<!tpu.dma_semaphore, #tpu.memory_space<semaphore_mem>>) src(%dma_wait3A_172 : memref<1000000x64xf32, #tpu.memory_space<hbm>>) dst(%dma_wait3A_166 : memref<100x64xf32, #tpu.memory_space<vmem>>)
      %scan3A_173 = arith.constant 0 : i32
      %scan3A_174 = arith.constant 25 : i32
      %scan3A_175 = arith.addi %scan3A_173, %scan3A_174 : i32
      %scan3A_176 = arith.constant 1 : i32
      %scan3A_177:4 = scf.for %scan3A_320 = %scan3A_173 to %scan3A_175 step %scan3A_176 iter_args(%scan3A_321 = %broadcast_in_dim3A_90, %scan3A_322 = %broadcast_in_dim3A_90, %scan3A_323 = %broadcast_in_dim3A_90, %scan3A_324 = %broadcast_in_dim3A_90) -> (vector<16xf32>, vector<16xf32>, vector<16xf32>, vector<16xf32>)  : i32 {
        %mul3A_325 = arith.constant 8 : i32
        %mul3A_326 = arith.muli %scan3A_320, %mul3A_325 : i32
        %add3A_327 = arith.constant 0 : i32
        %add3A_328 = arith.addi %mul3A_326, %add3A_327 : i32
        %get3A = arith.index_cast %add3A_328 : i32 to index
        %get3A_329 = arith.constant 0 : index
        %get3A_330 = tpu.vector_load %arg7[%get3A, %get3A_329] {strides = array<i32>} : memref<200x64xf32, #tpu.memory_space<vmem>>, vector<1x16xf32>,
        %get3A_331 = vector.shape_cast %get3A_330 : vector<1x16xf32> to vector<16xf32>
        %add3A_332 = arith.constant 1 : i32
        %add3A_333 = arith.addi %mul3A_326, %add3A_332 : i32
        %get3A_334 = arith.index_cast %add3A_333 : i32 to index
        %get3A_335 = arith.constant 0 : index
        %get3A_336 = tpu.vector_load %arg7[%get3A_334, %get3A_335] {strides = array<i32>} : memref<200x64xf32, #tpu.memory_space<vmem>>, vector<1x16xf32>,
        %get3A_337 = vector.shape_cast %get3A_336 : vector<1x16xf32> to vector<16xf32>
        %add3A_338 = arith.constant 2 : i32
        %add3A_339 = arith.addi %mul3A_326, %add3A_338 : i32
        %get3A_340 = arith.index_cast %add3A_339 : i32 to index
        %get3A_341 = arith.constant 0 : index
        %get3A_342 = tpu.vector_load %arg7[%get3A_340, %get3A_341] {strides = array<i32>} : memref<200x64xf32, #tpu.memory_space<vmem>>, vector<1x16xf32>,
        %get3A_343 = vector.shape_cast %get3A_342 : vector<1x16xf32> to vector<16xf32>
        %add3A_344 = arith.constant 3 : i32
        %add3A_345 = arith.addi %mul3A_326, %add3A_344 : i32
        %get3A_346 = arith.index_cast %add3A_345 : i32 to index
        %get3A_347 = arith.constant 0 : index
        %get3A_348 = tpu.vector_load %arg7[%get3A_346, %get3A_347] {strides = array<i32>} : memref<200x64xf32, #tpu.memory_space<vmem>>, vector<1x16xf32>,
        %get3A_349 = vector.shape_cast %get3A_348 : vector<1x16xf32> to vector<16xf32>
        %add3A_350 = arith.constant 4 : i32
        %add3A_351 = arith.addi %mul3A_326, %add3A_350 : i32
        %get3A_352 = arith.index_cast %add3A_351 : i32 to index
        %get3A_353 = arith.constant 0 : index
        %get3A_354 = tpu.vector_load %arg7[%get3A_352, %get3A_353] {strides = array<i32>} : memref<200x64xf32, #tpu.memory_space<vmem>>, vector<1x16xf32>,
        %get3A_355 = vector.shape_cast %get3A_354 : vector<1x16xf32> to vector<16xf32>
        %add3A_356 = arith.constant 5 : i32
        %add3A_357 = arith.addi %mul3A_326, %add3A_356 : i32
        %get3A_358 = arith.index_cast %add3A_357 : i32 to index
        %get3A_359 = arith.constant 0 : index
        %get3A_360 = tpu.vector_load %arg7[%get3A_358, %get3A_359] {strides = array<i32>} : memref<200x64xf32, #tpu.memory_space<vmem>>, vector<1x16xf32>,
        %get3A_361 = vector.shape_cast %get3A_360 : vector<1x16xf32> to vector<16xf32>
        %add3A_362 = arith.constant 6 : i32
        %add3A_363 = arith.addi %mul3A_326, %add3A_362 : i32
        %get3A_364 = arith.index_cast %add3A_363 : i32 to index
        %get3A_365 = arith.constant 0 : index
        %get3A_366 = tpu.vector_load %arg7[%get3A_364, %get3A_365] {strides = array<i32>} : memref<200x64xf32, #tpu.memory_space<vmem>>, vector<1x16xf32>,
        %get3A_367 = vector.shape_cast %get3A_366 : vector<1x16xf32> to vector<16xf32>
        %add3A_368 = arith.constant 7 : i32
        %add3A_369 = arith.addi %mul3A_326, %add3A_368 : i32
        %get3A_370 = arith.index_cast %add3A_369 : i32 to index
        %get3A_371 = arith.constant 0 : index
        %get3A_372 = tpu.vector_load %arg7[%get3A_370, %get3A_371] {strides = array<i32>} : memref<200x64xf32, #tpu.memory_space<vmem>>, vector<1x16xf32>,
        %get3A_373 = vector.shape_cast %get3A_372 : vector<1x16xf32> to vector<16xf32>
        %add3A_374 = arith.addf %get3A_331, %get3A_337 : vector<16xf32>
        %add3A_375 = arith.addf %get3A_343, %get3A_349 : vector<16xf32>
        %add3A_376 = arith.addf %get3A_355, %get3A_361 : vector<16xf32>
        %add3A_377 = arith.addf %get3A_367, %get3A_373 : vector<16xf32>
        %add3A_378 = arith.addf %add3A_374, %add3A_375 : vector<16xf32>
        %add3A_379 = arith.addf %add3A_376, %add3A_377 : vector<16xf32>
        %add3A_380 = arith.addf %add3A_378, %add3A_379 : vector<16xf32>
        %add3A_381 = arith.addf %scan3A_321, %add3A_380 : vector<16xf32>
        %add3A_382 = arith.constant 0 : i32
        %add3A_383 = arith.addi %mul3A_326, %add3A_382 : i32
        %get3A_384 = arith.index_cast %add3A_383 : i32 to index
        %get3A_385 = arith.constant 16 : index
        %get3A_386 = tpu.vector_load %arg7[%get3A_384, %get3A_385] {strides = array<i32>} : memref<200x64xf32, #tpu.memory_space<vmem>>, vector<1x16xf32>,
        %get3A_387 = vector.shape_cast %get3A_386 : vector<1x16xf32> to vector<16xf32>
        %add3A_388 = arith.constant 1 : i32
        %add3A_389 = arith.addi %mul3A_326, %add3A_388 : i32
        %get3A_390 = arith.index_cast %add3A_389 : i32 to index
        %get3A_391 = arith.constant 16 : index
        %get3A_392 = tpu.vector_load %arg7[%get3A_390, %get3A_391] {strides = array<i32>} : memref<200x64xf32, #tpu.memory_space<vmem>>, vector<1x16xf32>,
        %get3A_393 = vector.shape_cast %get3A_392 : vector<1x16xf32> to vector<16xf32>
        %add3A_394 = arith.constant 2 : i32
        %add3A_395 = arith.addi %mul3A_326, %add3A_394 : i32
        %get3A_396 = arith.index_cast %add3A_395 : i32 to index
        %get3A_397 = arith.constant 16 : index
        %get3A_398 = tpu.vector_load %arg7[%get3A_396, %get3A_397] {strides = array<i32>} : memref<200x64xf32, #tpu.memory_space<vmem>>, vector<1x16xf32>,
        %get3A_399 = vector.shape_cast %get3A_398 : vector<1x16xf32> to vector<16xf32>
        %add3A_400 = arith.constant 3 : i32
        %add3A_401 = arith.addi %mul3A_326, %add3A_400 : i32
        %get3A_402 = arith.index_cast %add3A_401 : i32 to index
        %get3A_403 = arith.constant 16 : index
        %get3A_404 = tpu.vector_load %arg7[%get3A_402, %get3A_403] {strides = array<i32>} : memref<200x64xf32, #tpu.memory_space<vmem>>, vector<1x16xf32>,
        %get3A_405 = vector.shape_cast %get3A_404 : vector<1x16xf32> to vector<16xf32>
        %add3A_406 = arith.constant 4 : i32
        %add3A_407 = arith.addi %mul3A_326, %add3A_406 : i32
        %get3A_408 = arith.index_cast %add3A_407 : i32 to index
        %get3A_409 = arith.constant 16 : index
        %get3A_410 = tpu.vector_load %arg7[%get3A_408, %get3A_409] {strides = array<i32>} : memref<200x64xf32, #tpu.memory_space<vmem>>, vector<1x16xf32>,
        %get3A_411 = vector.shape_cast %get3A_410 : vector<1x16xf32> to vector<16xf32>
        %add3A_412 = arith.constant 5 : i32
        %add3A_413 = arith.addi %mul3A_326, %add3A_412 : i32
        %get3A_414 = arith.index_cast %add3A_413 : i32 to index
        %get3A_415 = arith.constant 16 : index
        %get3A_416 = tpu.vector_load %arg7[%get3A_414, %get3A_415] {strides = array<i32>} : memref<200x64xf32, #tpu.memory_space<vmem>>, vector<1x16xf32>,
        %get3A_417 = vector.shape_cast %get3A_416 : vector<1x16xf32> to vector<16xf32>
        %add3A_418 = arith.constant 6 : i32
        %add3A_419 = arith.addi %mul3A_326, %add3A_418 : i32
        %get3A_420 = arith.index_cast %add3A_419 : i32 to index
        %get3A_421 = arith.constant 16 : index
        %get3A_422 = tpu.vector_load %arg7[%get3A_420, %get3A_421] {strides = array<i32>} : memref<200x64xf32, #tpu.memory_space<vmem>>, vector<1x16xf32>,
        %get3A_423 = vector.shape_cast %get3A_422 : vector<1x16xf32> to vector<16xf32>
        %add3A_424 = arith.constant 7 : i32
        %add3A_425 = arith.addi %mul3A_326, %add3A_424 : i32
        %get3A_426 = arith.index_cast %add3A_425 : i32 to index
        %get3A_427 = arith.constant 16 : index
        %get3A_428 = tpu.vector_load %arg7[%get3A_426, %get3A_427] {strides = array<i32>} : memref<200x64xf32, #tpu.memory_space<vmem>>, vector<1x16xf32>,
        %get3A_429 = vector.shape_cast %get3A_428 : vector<1x16xf32> to vector<16xf32>
        %add3A_430 = arith.addf %get3A_387, %get3A_393 : vector<16xf32>
        %add3A_431 = arith.addf %get3A_399, %get3A_405 : vector<16xf32>
        %add3A_432 = arith.addf %get3A_411, %get3A_417 : vector<16xf32>
        %add3A_433 = arith.addf %get3A_423, %get3A_429 : vector<16xf32>
        %add3A_434 = arith.addf %add3A_430, %add3A_431 : vector<16xf32>
        %add3A_435 = arith.addf %add3A_432, %add3A_433 : vector<16xf32>
        %add3A_436 = arith.addf %add3A_434, %add3A_435 : vector<16xf32>
        %add3A_437 = arith.addf %scan3A_322, %add3A_436 : vector<16xf32>
        %add3A_438 = arith.constant 0 : i32
        %add3A_439 = arith.addi %mul3A_326, %add3A_438 : i32
        %get3A_440 = arith.index_cast %add3A_439 : i32 to index
        %get3A_441 = arith.constant 32 : index
        %get3A_442 = tpu.vector_load %arg7[%get3A_440, %get3A_441] {strides = array<i32>} : memref<200x64xf32, #tpu.memory_space<vmem>>, vector<1x16xf32>,
        %get3A_443 = vector.shape_cast %get3A_442 : vector<1x16xf32> to vector<16xf32>
        %add3A_444 = arith.constant 1 : i32
        %add3A_445 = arith.addi %mul3A_326, %add3A_444 : i32
        %get3A_446 = arith.index_cast %add3A_445 : i32 to index
        %get3A_447 = arith.constant 32 : index
        %get3A_448 = tpu.vector_load %arg7[%get3A_446, %get3A_447] {strides = array<i32>} : memref<200x64xf32, #tpu.memory_space<vmem>>, vector<1x16xf32>,
        %get3A_449 = vector.shape_cast %get3A_448 : vector<1x16xf32> to vector<16xf32>
        %add3A_450 = arith.constant 2 : i32
        %add3A_451 = arith.addi %mul3A_326, %add3A_450 : i32
        %get3A_452 = arith.index_cast %add3A_451 : i32 to index
        %get3A_453 = arith.constant 32 : index
        %get3A_454 = tpu.vector_load %arg7[%get3A_452, %get3A_453] {strides = array<i32>} : memref<200x64xf32, #tpu.memory_space<vmem>>, vector<1x16xf32>,
        %get3A_455 = vector.shape_cast %get3A_454 : vector<1x16xf32> to vector<16xf32>
        %add3A_456 = arith.constant 3 : i32
        %add3A_457 = arith.addi %mul3A_326, %add3A_456 : i32
        %get3A_458 = arith.index_cast %add3A_457 : i32 to index
        %get3A_459 = arith.constant 32 : index
        %get3A_460 = tpu.vector_load %arg7[%get3A_458, %get3A_459] {strides = array<i32>} : memref<200x64xf32, #tpu.memory_space<vmem>>, vector<1x16xf32>,
        %get3A_461 = vector.shape_cast %get3A_460 : vector<1x16xf32> to vector<16xf32>
        %add3A_462 = arith.constant 4 : i32
        %add3A_463 = arith.addi %mul3A_326, %add3A_462 : i32
        %get3A_464 = arith.index_cast %add3A_463 : i32 to index
        %get3A_465 = arith.constant 32 : index
        %get3A_466 = tpu.vector_load %arg7[%get3A_464, %get3A_465] {strides = array<i32>} : memref<200x64xf32, #tpu.memory_space<vmem>>, vector<1x16xf32>,
        %get3A_467 = vector.shape_cast %get3A_466 : vector<1x16xf32> to vector<16xf32>
        %add3A_468 = arith.constant 5 : i32
        %add3A_469 = arith.addi %mul3A_326, %add3A_468 : i32
        %get3A_470 = arith.index_cast %add3A_469 : i32 to index
        %get3A_471 = arith.constant 32 : index
        %get3A_472 = tpu.vector_load %arg7[%get3A_470, %get3A_471] {strides = array<i32>} : memref<200x64xf32, #tpu.memory_space<vmem>>, vector<1x16xf32>,
        %get3A_473 = vector.shape_cast %get3A_472 : vector<1x16xf32> to vector<16xf32>
        %add3A_474 = arith.constant 6 : i32
        %add3A_475 = arith.addi %mul3A_326, %add3A_474 : i32
        %get3A_476 = arith.index_cast %add3A_475 : i32 to index
        %get3A_477 = arith.constant 32 : index
        %get3A_478 = tpu.vector_load %arg7[%get3A_476, %get3A_477] {strides = array<i32>} : memref<200x64xf32, #tpu.memory_space<vmem>>, vector<1x16xf32>,
        %get3A_479 = vector.shape_cast %get3A_478 : vector<1x16xf32> to vector<16xf32>
        %add3A_480 = arith.constant 7 : i32
        %add3A_481 = arith.addi %mul3A_326, %add3A_480 : i32
        %get3A_482 = arith.index_cast %add3A_481 : i32 to index
        %get3A_483 = arith.constant 32 : index
        %get3A_484 = tpu.vector_load %arg7[%get3A_482, %get3A_483] {strides = array<i32>} : memref<200x64xf32, #tpu.memory_space<vmem>>, vector<1x16xf32>,
        %get3A_485 = vector.shape_cast %get3A_484 : vector<1x16xf32> to vector<16xf32>
        %add3A_486 = arith.addf %get3A_443, %get3A_449 : vector<16xf32>
        %add3A_487 = arith.addf %get3A_455, %get3A_461 : vector<16xf32>
        %add3A_488 = arith.addf %get3A_467, %get3A_473 : vector<16xf32>
        %add3A_489 = arith.addf %get3A_479, %get3A_485 : vector<16xf32>
        %add3A_490 = arith.addf %add3A_486, %add3A_487 : vector<16xf32>
        %add3A_491 = arith.addf %add3A_488, %add3A_489 : vector<16xf32>
        %add3A_492 = arith.addf %add3A_490, %add3A_491 : vector<16xf32>
        %add3A_493 = arith.addf %scan3A_323, %add3A_492 : vector<16xf32>
        %add3A_494 = arith.constant 0 : i32
        %add3A_495 = arith.addi %mul3A_326, %add3A_494 : i32
        %get3A_496 = arith.index_cast %add3A_495 : i32 to index
        %get3A_497 = arith.constant 48 : index
        %get3A_498 = tpu.vector_load %arg7[%get3A_496, %get3A_497] {strides = array<i32>} : memref<200x64xf32, #tpu.memory_space<vmem>>, vector<1x16xf32>,
        %get3A_499 = vector.shape_cast %get3A_498 : vector<1x16xf32> to vector<16xf32>
        %add3A_500 = arith.constant 1 : i32
        %add3A_501 = arith.addi %mul3A_326, %add3A_500 : i32
        %get3A_502 = arith.index_cast %add3A_501 : i32 to index
        %get3A_503 = arith.constant 48 : index
        %get3A_504 = tpu.vector_load %arg7[%get3A_502, %get3A_503] {strides = array<i32>} : memref<200x64xf32, #tpu.memory_space<vmem>>, vector<1x16xf32>,
        %get3A_505 = vector.shape_cast %get3A_504 : vector<1x16xf32> to vector<16xf32>
        %add3A_506 = arith.constant 2 : i32
        %add3A_507 = arith.addi %mul3A_326, %add3A_506 : i32
        %get3A_508 = arith.index_cast %add3A_507 : i32 to index
        %get3A_509 = arith.constant 48 : index
        %get3A_510 = tpu.vector_load %arg7[%get3A_508, %get3A_509] {strides = array<i32>} : memref<200x64xf32, #tpu.memory_space<vmem>>, vector<1x16xf32>,
        %get3A_511 = vector.shape_cast %get3A_510 : vector<1x16xf32> to vector<16xf32>
        %add3A_512 = arith.constant 3 : i32
        %add3A_513 = arith.addi %mul3A_326, %add3A_512 : i32
        %get3A_514 = arith.index_cast %add3A_513 : i32 to index
        %get3A_515 = arith.constant 48 : index
        %get3A_516 = tpu.vector_load %arg7[%get3A_514, %get3A_515] {strides = array<i32>} : memref<200x64xf32, #tpu.memory_space<vmem>>, vector<1x16xf32>,
        %get3A_517 = vector.shape_cast %get3A_516 : vector<1x16xf32> to vector<16xf32>
        %add3A_518 = arith.constant 4 : i32
        %add3A_519 = arith.addi %mul3A_326, %add3A_518 : i32
        %get3A_520 = arith.index_cast %add3A_519 : i32 to index
        %get3A_521 = arith.constant 48 : index
        %get3A_522 = tpu.vector_load %arg7[%get3A_520, %get3A_521] {strides = array<i32>} : memref<200x64xf32, #tpu.memory_space<vmem>>, vector<1x16xf32>,
        %get3A_523 = vector.shape_cast %get3A_522 : vector<1x16xf32> to vector<16xf32>
        %add3A_524 = arith.constant 5 : i32
        %add3A_525 = arith.addi %mul3A_326, %add3A_524 : i32
        %get3A_526 = arith.index_cast %add3A_525 : i32 to index
        %get3A_527 = arith.constant 48 : index
        %get3A_528 = tpu.vector_load %arg7[%get3A_526, %get3A_527] {strides = array<i32>} : memref<200x64xf32, #tpu.memory_space<vmem>>, vector<1x16xf32>,
        %get3A_529 = vector.shape_cast %get3A_528 : vector<1x16xf32> to vector<16xf32>
        %add3A_530 = arith.constant 6 : i32
        %add3A_531 = arith.addi %mul3A_326, %add3A_530 : i32
        %get3A_532 = arith.index_cast %add3A_531 : i32 to index
        %get3A_533 = arith.constant 48 : index
        %get3A_534 = tpu.vector_load %arg7[%get3A_532, %get3A_533] {strides = array<i32>} : memref<200x64xf32, #tpu.memory_space<vmem>>, vector<1x16xf32>,
        %get3A_535 = vector.shape_cast %get3A_534 : vector<1x16xf32> to vector<16xf32>
        %add3A_536 = arith.constant 7 : i32
        %add3A_537 = arith.addi %mul3A_326, %add3A_536 : i32
        %get3A_538 = arith.index_cast %add3A_537 : i32 to index
        %get3A_539 = arith.constant 48 : index
        %get3A_540 = tpu.vector_load %arg7[%get3A_538, %get3A_539] {strides = array<i32>} : memref<200x64xf32, #tpu.memory_space<vmem>>, vector<1x16xf32>,
        %get3A_541 = vector.shape_cast %get3A_540 : vector<1x16xf32> to vector<16xf32>
        %add3A_542 = arith.addf %get3A_499, %get3A_505 : vector<16xf32>
        %add3A_543 = arith.addf %get3A_511, %get3A_517 : vector<16xf32>
        %add3A_544 = arith.addf %get3A_523, %get3A_529 : vector<16xf32>
        %add3A_545 = arith.addf %get3A_535, %get3A_541 : vector<16xf32>
        %add3A_546 = arith.addf %add3A_542, %add3A_543 : vector<16xf32>
        %add3A_547 = arith.addf %add3A_544, %add3A_545 : vector<16xf32>
        %add3A_548 = arith.addf %add3A_546, %add3A_547 : vector<16xf32>
        %add3A_549 = arith.addf %scan3A_324, %add3A_548 : vector<16xf32>
        scf.yield %add3A_381, %add3A_437, %add3A_493, %add3A_549 : vector<16xf32>, vector<16xf32>, vector<16xf32>, vector<16xf32>
      }
      %scan3A_178 = arith.constant 25 : i32
      %swap3A_179 = arith.index_cast %add3A_152 : i32 to index
      %swap3A_180 = arith.constant 0 : index
      %swap3A_181 = tpu.vector_load %arg10[%swap3A_179, %swap3A_180] {strides = array<i32>} : memref<128x64xf32, #tpu.memory_space<vmem>>, vector<1x16xf32>,
      %swap3A_182 = vector.shape_cast %swap3A_181 : vector<1x16xf32> to vector<16xf32>
      %swap3A_183 = vector.shape_cast %scan3A_177#0 : vector<16xf32> to vector<1x16xf32>
      tpu.vector_store %arg10[%swap3A_179, %swap3A_180], %swap3A_183 {strides = array<i32>} : memref<128x64xf32, #tpu.memory_space<vmem>>, vector<1x16xf32>,
      %swap3A_184 = arith.index_cast %add3A_152 : i32 to index
      %swap3A_185 = arith.constant 16 : index
      %swap3A_186 = tpu.vector_load %arg10[%swap3A_184, %swap3A_185] {strides = array<i32>} : memref<128x64xf32, #tpu.memory_space<vmem>>, vector<1x16xf32>,
      %swap3A_187 = vector.shape_cast %swap3A_186 : vector<1x16xf32> to vector<16xf32>
      %swap3A_188 = vector.shape_cast %scan3A_177#1 : vector<16xf32> to vector<1x16xf32>
      tpu.vector_store %arg10[%swap3A_184, %swap3A_185], %swap3A_188 {strides = array<i32>} : memref<128x64xf32, #tpu.memory_space<vmem>>, vector<1x16xf32>,
      %swap3A_189 = arith.index_cast %add3A_152 : i32 to index
      %swap3A_190 = arith.constant 32 : index
      %swap3A_191 = tpu.vector_load %arg10[%swap3A_189, %swap3A_190] {strides = array<i32>} : memref<128x64xf32, #tpu.memory_space<vmem>>, vector<1x16xf32>,
      %swap3A_192 = vector.shape_cast %swap3A_191 : vector<1x16xf32> to vector<16xf32>
      %swap3A_193 = vector.shape_cast %scan3A_177#2 : vector<16xf32> to vector<1x16xf32>
      tpu.vector_store %arg10[%swap3A_189, %swap3A_190], %swap3A_193 {strides = array<i32>} : memref<128x64xf32, #tpu.memory_space<vmem>>, vector<1x16xf32>,
      %swap3A_194 = arith.index_cast %add3A_152 : i32 to index
      %swap3A_195 = arith.constant 48 : index
      %swap3A_196 = tpu.vector_load %arg10[%swap3A_194, %swap3A_195] {strides = array<i32>} : memref<128x64xf32, #tpu.memory_space<vmem>>, vector<1x16xf32>,
      %swap3A_197 = vector.shape_cast %swap3A_196 : vector<1x16xf32> to vector<16xf32>
      %swap3A_198 = vector.shape_cast %scan3A_177#3 : vector<16xf32> to vector<1x16xf32>
      tpu.vector_store %arg10[%swap3A_194, %swap3A_195], %swap3A_198 {strides = array<i32>} : memref<128x64xf32, #tpu.memory_space<vmem>>, vector<1x16xf32>,
      %add3A_199 = arith.constant 4 : i32
      %add3A_200 = arith.addi %add3A_152, %add3A_199 : i32
      %lt3A_201 = arith.constant 128 : i32
      %lt3A_202 = arith.cmpi slt, %add3A_200, %lt3A_201 : i32
      %convert_element_type3A_203 = arith.extui %lt3A_202 : i1 to i32
      %cond3A_204 = arith.constant 0 : i32
      %cond3A_205 = arith.cmpi ne, %convert_element_type3A_203, %cond3A_204 : i32
      scf.if %cond3A_205 {
        %dma_start3A_320 = arith.constant 0 : i32
        %dma_start3A_321 = arith.constant 0 : i32
        %dma_start3A_322 = arith.constant 0 : i32
        %dma_start3A_323 = tpu.memref_slice %arg7[%dma_start3A_321, %dma_start3A_322] : memref<200x64xf32, #tpu.memory_space<vmem>> -> memref<100x64xf32, #tpu.memory_space<vmem>>
        %dma_start3A_324 = arith.constant 0 : i32
        %dma_start3A_325 = tpu.memref_slice %arg5[%add3A_200, %dma_start3A_320, %dma_start3A_324] : memref<128x2x100xi32, #tpu.memory_space<vmem>> -> memref<1x1x100xi32, #tpu.memory_space<vmem>>
        %dma_start3A_326 = tpu.memref_squeeze %dma_start3A_325 : memref<1x1x100xi32, #tpu.memory_space<vmem>> -> memref<100xi32, #tpu.memory_space<vmem>>
        %dma_start3A_327 = arith.constant 0 : i32
        %dma_start3A_328 = arith.constant 0 : i32
        %dma_start3A_329 = tpu.memref_slice %arg3[%dma_start3A_327, %dma_start3A_328] : memref<1000000x64xf32, #tpu.memory_space<hbm>> -> memref<1000000x64xf32, #tpu.memory_space<hbm>>
        tpu.enqueue_indirect_dma source(%dma_start3A_329 : memref<1000000x64xf32, #tpu.memory_space<hbm>>) target(%dma_start3A_323 : memref<100x64xf32, #tpu.memory_space<vmem>>) offsets(%dma_start3A_326 : memref<100xi32, #tpu.memory_space<vmem>>) semaphore(%arg12 : memref<!tpu.dma_semaphore, #tpu.memory_space<semaphore_mem>>)
        %dma_start3A_330 = arith.constant 1 : i32
        %dma_start3A_331 = arith.constant 100 : i32
        %dma_start3A_332 = arith.constant 0 : i32
        %dma_start3A_333 = tpu.memref_slice %arg7[%dma_start3A_331, %dma_start3A_332] : memref<200x64xf32, #tpu.memory_space<vmem>> -> memref<100x64xf32, #tpu.memory_space<vmem>>
        %dma_start3A_334 = arith.constant 0 : i32
        %dma_start3A_335 = tpu.memref_slice %arg5[%add3A_200, %dma_start3A_330, %dma_start3A_334] : memref<128x2x100xi32, #tpu.memory_space<vmem>> -> memref<1x1x100xi32, #tpu.memory_space<vmem>>
        %dma_start3A_336 = tpu.memref_squeeze %dma_start3A_335 : memref<1x1x100xi32, #tpu.memory_space<vmem>> -> memref<100xi32, #tpu.memory_space<vmem>>
        %dma_start3A_337 = arith.constant 0 : i32
        %dma_start3A_338 = arith.constant 0 : i32
        %dma_start3A_339 = tpu.memref_slice %arg3[%dma_start3A_337, %dma_start3A_338] : memref<1000000x64xf32, #tpu.memory_space<hbm>> -> memref<1000000x64xf32, #tpu.memory_space<hbm>>
        tpu.enqueue_indirect_dma source(%dma_start3A_339 : memref<1000000x64xf32, #tpu.memory_space<hbm>>) target(%dma_start3A_333 : memref<100x64xf32, #tpu.memory_space<vmem>>) offsets(%dma_start3A_336 : memref<100xi32, #tpu.memory_space<vmem>>) semaphore(%arg12 : memref<!tpu.dma_semaphore, #tpu.memory_space<semaphore_mem>>)
      } else {
      }
      %mul3A_206 = arith.constant 4 : i32
      %mul3A_207 = arith.muli %scan3A_96, %mul3A_206 : i32
      %add3A_208 = arith.constant 2 : i32
      %add3A_209 = arith.addi %mul3A_207, %add3A_208 : i32
      %dma_wait3A_210 = arith.constant 0 : i32
      %dma_wait3A_211 = arith.constant 0 : i32
      %dma_wait3A_212 = arith.constant 0 : i32
      %dma_wait3A_213 = tpu.memref_slice %arg8[%dma_wait3A_211, %dma_wait3A_212] : memref<200x64xf32, #tpu.memory_space<vmem>> -> memref<100x64xf32, #tpu.memory_space<vmem>>
      %dma_wait3A_214 = arith.constant 0 : i32
      %dma_wait3A_215 = tpu.memref_slice %arg5[%add3A_209, %dma_wait3A_210, %dma_wait3A_214] : memref<128x2x100xi32, #tpu.memory_space<vmem>> -> memref<1x1x100xi32, #tpu.memory_space<vmem>>
      %dma_wait3A_216 = tpu.memref_squeeze %dma_wait3A_215 : memref<1x1x100xi32, #tpu.memory_space<vmem>> -> memref<100xi32, #tpu.memory_space<vmem>>
      %dma_wait3A_217 = arith.constant 0 : i32
      %dma_wait3A_218 = arith.constant 0 : i32
      %dma_wait3A_219 = tpu.memref_slice %arg3[%dma_wait3A_217, %dma_wait3A_218] : memref<1000000x64xf32, #tpu.memory_space<hbm>> -> memref<1000000x64xf32, #tpu.memory_space<hbm>>
      tpu.wait_indirect_dma semaphore(%arg13 : memref<!tpu.dma_semaphore, #tpu.memory_space<semaphore_mem>>) src(%dma_wait3A_219 : memref<1000000x64xf32, #tpu.memory_space<hbm>>) dst(%dma_wait3A_213 : memref<100x64xf32, #tpu.memory_space<vmem>>)
      %dma_wait3A_220 = arith.constant 1 : i32
      %dma_wait3A_221 = arith.constant 100 : i32
      %dma_wait3A_222 = arith.constant 0 : i32
      %dma_wait3A_223 = tpu.memref_slice %arg8[%dma_wait3A_221, %dma_wait3A_222] : memref<200x64xf32, #tpu.memory_space<vmem>> -> memref<100x64xf32, #tpu.memory_space<vmem>>
      %dma_wait3A_224 = arith.constant 0 : i32
      %dma_wait3A_225 = tpu.memref_slice %arg5[%add3A_209, %dma_wait3A_220, %dma_wait3A_224] : memref<128x2x100xi32, #tpu.memory_space<vmem>> -> memref<1x1x100xi32, #tpu.memory_space<vmem>>
      %dma_wait3A_226 = tpu.memref_squeeze %dma_wait3A_225 : memref<1x1x100xi32, #tpu.memory_space<vmem>> -> memref<100xi32, #tpu.memory_space<vmem>>
      %dma_wait3A_227 = arith.constant 0 : i32
      %dma_wait3A_228 = arith.constant 0 : i32
      %dma_wait3A_229 = tpu.memref_slice %arg3[%dma_wait3A_227, %dma_wait3A_228] : memref<1000000x64xf32, #tpu.memory_space<hbm>> -> memref<1000000x64xf32, #tpu.memory_space<hbm>>
      tpu.wait_indirect_dma semaphore(%arg13 : memref<!tpu.dma_semaphore, #tpu.memory_space<semaphore_mem>>) src(%dma_wait3A_229 : memref<1000000x64xf32, #tpu.memory_space<hbm>>) dst(%dma_wait3A_223 : memref<100x64xf32, #tpu.memory_space<vmem>>)
      %scan3A_230 = arith.constant 0 : i32
      %scan3A_231 = arith.constant 25 : i32
      %scan3A_232 = arith.addi %scan3A_230, %scan3A_231 : i32
      %scan3A_233 = arith.constant 1 : i32
      %scan3A_234:4 = scf.for %scan3A_320 = %scan3A_230 to %scan3A_232 step %scan3A_233 iter_args(%scan3A_321 = %broadcast_in_dim3A_90, %scan3A_322 = %broadcast_in_dim3A_90, %scan3A_323 = %broadcast_in_dim3A_90, %scan3A_324 = %broadcast_in_dim3A_90) -> (vector<16xf32>, vector<16xf32>, vector<16xf32>, vector<16xf32>)  : i32 {
        %mul3A_325 = arith.constant 8 : i32
        %mul3A_326 = arith.muli %scan3A_320, %mul3A_325 : i32
        %add3A_327 = arith.constant 0 : i32
        %add3A_328 = arith.addi %mul3A_326, %add3A_327 : i32
        %get3A = arith.index_cast %add3A_328 : i32 to index
        %get3A_329 = arith.constant 0 : index
        %get3A_330 = tpu.vector_load %arg8[%get3A, %get3A_329] {strides = array<i32>} : memref<200x64xf32, #tpu.memory_space<vmem>>, vector<1x16xf32>,
        %get3A_331 = vector.shape_cast %get3A_330 : vector<1x16xf32> to vector<16xf32>
        %add3A_332 = arith.constant 1 : i32
        %add3A_333 = arith.addi %mul3A_326, %add3A_332 : i32
        %get3A_334 = arith.index_cast %add3A_333 : i32 to index
        %get3A_335 = arith.constant 0 : index
        %get3A_336 = tpu.vector_load %arg8[%get3A_334, %get3A_335] {strides = array<i32>} : memref<200x64xf32, #tpu.memory_space<vmem>>, vector<1x16xf32>,
        %get3A_337 = vector.shape_cast %get3A_336 : vector<1x16xf32> to vector<16xf32>
        %add3A_338 = arith.constant 2 : i32
        %add3A_339 = arith.addi %mul3A_326, %add3A_338 : i32
        %get3A_340 = arith.index_cast %add3A_339 : i32 to index
        %get3A_341 = arith.constant 0 : index
        %get3A_342 = tpu.vector_load %arg8[%get3A_340, %get3A_341] {strides = array<i32>} : memref<200x64xf32, #tpu.memory_space<vmem>>, vector<1x16xf32>,
        %get3A_343 = vector.shape_cast %get3A_342 : vector<1x16xf32> to vector<16xf32>
        %add3A_344 = arith.constant 3 : i32
        %add3A_345 = arith.addi %mul3A_326, %add3A_344 : i32
        %get3A_346 = arith.index_cast %add3A_345 : i32 to index
        %get3A_347 = arith.constant 0 : index
        %get3A_348 = tpu.vector_load %arg8[%get3A_346, %get3A_347] {strides = array<i32>} : memref<200x64xf32, #tpu.memory_space<vmem>>, vector<1x16xf32>,
        %get3A_349 = vector.shape_cast %get3A_348 : vector<1x16xf32> to vector<16xf32>
        %add3A_350 = arith.constant 4 : i32
        %add3A_351 = arith.addi %mul3A_326, %add3A_350 : i32
        %get3A_352 = arith.index_cast %add3A_351 : i32 to index
        %get3A_353 = arith.constant 0 : index
        %get3A_354 = tpu.vector_load %arg8[%get3A_352, %get3A_353] {strides = array<i32>} : memref<200x64xf32, #tpu.memory_space<vmem>>, vector<1x16xf32>,
        %get3A_355 = vector.shape_cast %get3A_354 : vector<1x16xf32> to vector<16xf32>
        %add3A_356 = arith.constant 5 : i32
        %add3A_357 = arith.addi %mul3A_326, %add3A_356 : i32
        %get3A_358 = arith.index_cast %add3A_357 : i32 to index
        %get3A_359 = arith.constant 0 : index
        %get3A_360 = tpu.vector_load %arg8[%get3A_358, %get3A_359] {strides = array<i32>} : memref<200x64xf32, #tpu.memory_space<vmem>>, vector<1x16xf32>,
        %get3A_361 = vector.shape_cast %get3A_360 : vector<1x16xf32> to vector<16xf32>
        %add3A_362 = arith.constant 6 : i32
        %add3A_363 = arith.addi %mul3A_326, %add3A_362 : i32
        %get3A_364 = arith.index_cast %add3A_363 : i32 to index
        %get3A_365 = arith.constant 0 : index
        %get3A_366 = tpu.vector_load %arg8[%get3A_364, %get3A_365] {strides = array<i32>} : memref<200x64xf32, #tpu.memory_space<vmem>>, vector<1x16xf32>,
        %get3A_367 = vector.shape_cast %get3A_366 : vector<1x16xf32> to vector<16xf32>
        %add3A_368 = arith.constant 7 : i32
        %add3A_369 = arith.addi %mul3A_326, %add3A_368 : i32
        %get3A_370 = arith.index_cast %add3A_369 : i32 to index
        %get3A_371 = arith.constant 0 : index
        %get3A_372 = tpu.vector_load %arg8[%get3A_370, %get3A_371] {strides = array<i32>} : memref<200x64xf32, #tpu.memory_space<vmem>>, vector<1x16xf32>,
        %get3A_373 = vector.shape_cast %get3A_372 : vector<1x16xf32> to vector<16xf32>
        %add3A_374 = arith.addf %get3A_331, %get3A_337 : vector<16xf32>
        %add3A_375 = arith.addf %get3A_343, %get3A_349 : vector<16xf32>
        %add3A_376 = arith.addf %get3A_355, %get3A_361 : vector<16xf32>
        %add3A_377 = arith.addf %get3A_367, %get3A_373 : vector<16xf32>
        %add3A_378 = arith.addf %add3A_374, %add3A_375 : vector<16xf32>
        %add3A_379 = arith.addf %add3A_376, %add3A_377 : vector<16xf32>
        %add3A_380 = arith.addf %add3A_378, %add3A_379 : vector<16xf32>
        %add3A_381 = arith.addf %scan3A_321, %add3A_380 : vector<16xf32>
        %add3A_382 = arith.constant 0 : i32
        %add3A_383 = arith.addi %mul3A_326, %add3A_382 : i32
        %get3A_384 = arith.index_cast %add3A_383 : i32 to index
        %get3A_385 = arith.constant 16 : index
        %get3A_386 = tpu.vector_load %arg8[%get3A_384, %get3A_385] {strides = array<i32>} : memref<200x64xf32, #tpu.memory_space<vmem>>, vector<1x16xf32>,
        %get3A_387 = vector.shape_cast %get3A_386 : vector<1x16xf32> to vector<16xf32>
        %add3A_388 = arith.constant 1 : i32
        %add3A_389 = arith.addi %mul3A_326, %add3A_388 : i32
        %get3A_390 = arith.index_cast %add3A_389 : i32 to index
        %get3A_391 = arith.constant 16 : index
        %get3A_392 = tpu.vector_load %arg8[%get3A_390, %get3A_391] {strides = array<i32>} : memref<200x64xf32, #tpu.memory_space<vmem>>, vector<1x16xf32>,
        %get3A_393 = vector.shape_cast %get3A_392 : vector<1x16xf32> to vector<16xf32>
        %add3A_394 = arith.constant 2 : i32
        %add3A_395 = arith.addi %mul3A_326, %add3A_394 : i32
        %get3A_396 = arith.index_cast %add3A_395 : i32 to index
        %get3A_397 = arith.constant 16 : index
        %get3A_398 = tpu.vector_load %arg8[%get3A_396, %get3A_397] {strides = array<i32>} : memref<200x64xf32, #tpu.memory_space<vmem>>, vector<1x16xf32>,
        %get3A_399 = vector.shape_cast %get3A_398 : vector<1x16xf32> to vector<16xf32>
        %add3A_400 = arith.constant 3 : i32
        %add3A_401 = arith.addi %mul3A_326, %add3A_400 : i32
        %get3A_402 = arith.index_cast %add3A_401 : i32 to index
        %get3A_403 = arith.constant 16 : index
        %get3A_404 = tpu.vector_load %arg8[%get3A_402, %get3A_403] {strides = array<i32>} : memref<200x64xf32, #tpu.memory_space<vmem>>, vector<1x16xf32>,
        %get3A_405 = vector.shape_cast %get3A_404 : vector<1x16xf32> to vector<16xf32>
        %add3A_406 = arith.constant 4 : i32
        %add3A_407 = arith.addi %mul3A_326, %add3A_406 : i32
        %get3A_408 = arith.index_cast %add3A_407 : i32 to index
        %get3A_409 = arith.constant 16 : index
        %get3A_410 = tpu.vector_load %arg8[%get3A_408, %get3A_409] {strides = array<i32>} : memref<200x64xf32, #tpu.memory_space<vmem>>, vector<1x16xf32>,
        %get3A_411 = vector.shape_cast %get3A_410 : vector<1x16xf32> to vector<16xf32>
        %add3A_412 = arith.constant 5 : i32
        %add3A_413 = arith.addi %mul3A_326, %add3A_412 : i32
        %get3A_414 = arith.index_cast %add3A_413 : i32 to index
        %get3A_415 = arith.constant 16 : index
        %get3A_416 = tpu.vector_load %arg8[%get3A_414, %get3A_415] {strides = array<i32>} : memref<200x64xf32, #tpu.memory_space<vmem>>, vector<1x16xf32>,
        %get3A_417 = vector.shape_cast %get3A_416 : vector<1x16xf32> to vector<16xf32>
        %add3A_418 = arith.constant 6 : i32
        %add3A_419 = arith.addi %mul3A_326, %add3A_418 : i32
        %get3A_420 = arith.index_cast %add3A_419 : i32 to index
        %get3A_421 = arith.constant 16 : index
        %get3A_422 = tpu.vector_load %arg8[%get3A_420, %get3A_421] {strides = array<i32>} : memref<200x64xf32, #tpu.memory_space<vmem>>, vector<1x16xf32>,
        %get3A_423 = vector.shape_cast %get3A_422 : vector<1x16xf32> to vector<16xf32>
        %add3A_424 = arith.constant 7 : i32
        %add3A_425 = arith.addi %mul3A_326, %add3A_424 : i32
        %get3A_426 = arith.index_cast %add3A_425 : i32 to index
        %get3A_427 = arith.constant 16 : index
        %get3A_428 = tpu.vector_load %arg8[%get3A_426, %get3A_427] {strides = array<i32>} : memref<200x64xf32, #tpu.memory_space<vmem>>, vector<1x16xf32>,
        %get3A_429 = vector.shape_cast %get3A_428 : vector<1x16xf32> to vector<16xf32>
        %add3A_430 = arith.addf %get3A_387, %get3A_393 : vector<16xf32>
        %add3A_431 = arith.addf %get3A_399, %get3A_405 : vector<16xf32>
        %add3A_432 = arith.addf %get3A_411, %get3A_417 : vector<16xf32>
        %add3A_433 = arith.addf %get3A_423, %get3A_429 : vector<16xf32>
        %add3A_434 = arith.addf %add3A_430, %add3A_431 : vector<16xf32>
        %add3A_435 = arith.addf %add3A_432, %add3A_433 : vector<16xf32>
        %add3A_436 = arith.addf %add3A_434, %add3A_435 : vector<16xf32>
        %add3A_437 = arith.addf %scan3A_322, %add3A_436 : vector<16xf32>
        %add3A_438 = arith.constant 0 : i32
        %add3A_439 = arith.addi %mul3A_326, %add3A_438 : i32
        %get3A_440 = arith.index_cast %add3A_439 : i32 to index
        %get3A_441 = arith.constant 32 : index
        %get3A_442 = tpu.vector_load %arg8[%get3A_440, %get3A_441] {strides = array<i32>} : memref<200x64xf32, #tpu.memory_space<vmem>>, vector<1x16xf32>,
        %get3A_443 = vector.shape_cast %get3A_442 : vector<1x16xf32> to vector<16xf32>
        %add3A_444 = arith.constant 1 : i32
        %add3A_445 = arith.addi %mul3A_326, %add3A_444 : i32
        %get3A_446 = arith.index_cast %add3A_445 : i32 to index
        %get3A_447 = arith.constant 32 : index
        %get3A_448 = tpu.vector_load %arg8[%get3A_446, %get3A_447] {strides = array<i32>} : memref<200x64xf32, #tpu.memory_space<vmem>>, vector<1x16xf32>,
        %get3A_449 = vector.shape_cast %get3A_448 : vector<1x16xf32> to vector<16xf32>
        %add3A_450 = arith.constant 2 : i32
        %add3A_451 = arith.addi %mul3A_326, %add3A_450 : i32
        %get3A_452 = arith.index_cast %add3A_451 : i32 to index
        %get3A_453 = arith.constant 32 : index
        %get3A_454 = tpu.vector_load %arg8[%get3A_452, %get3A_453] {strides = array<i32>} : memref<200x64xf32, #tpu.memory_space<vmem>>, vector<1x16xf32>,
        %get3A_455 = vector.shape_cast %get3A_454 : vector<1x16xf32> to vector<16xf32>
        %add3A_456 = arith.constant 3 : i32
        %add3A_457 = arith.addi %mul3A_326, %add3A_456 : i32
        %get3A_458 = arith.index_cast %add3A_457 : i32 to index
        %get3A_459 = arith.constant 32 : index
        %get3A_460 = tpu.vector_load %arg8[%get3A_458, %get3A_459] {strides = array<i32>} : memref<200x64xf32, #tpu.memory_space<vmem>>, vector<1x16xf32>,
        %get3A_461 = vector.shape_cast %get3A_460 : vector<1x16xf32> to vector<16xf32>
        %add3A_462 = arith.constant 4 : i32
        %add3A_463 = arith.addi %mul3A_326, %add3A_462 : i32
        %get3A_464 = arith.index_cast %add3A_463 : i32 to index
        %get3A_465 = arith.constant 32 : index
        %get3A_466 = tpu.vector_load %arg8[%get3A_464, %get3A_465] {strides = array<i32>} : memref<200x64xf32, #tpu.memory_space<vmem>>, vector<1x16xf32>,
        %get3A_467 = vector.shape_cast %get3A_466 : vector<1x16xf32> to vector<16xf32>
        %add3A_468 = arith.constant 5 : i32
        %add3A_469 = arith.addi %mul3A_326, %add3A_468 : i32
        %get3A_470 = arith.index_cast %add3A_469 : i32 to index
        %get3A_471 = arith.constant 32 : index
        %get3A_472 = tpu.vector_load %arg8[%get3A_470, %get3A_471] {strides = array<i32>} : memref<200x64xf32, #tpu.memory_space<vmem>>, vector<1x16xf32>,
        %get3A_473 = vector.shape_cast %get3A_472 : vector<1x16xf32> to vector<16xf32>
        %add3A_474 = arith.constant 6 : i32
        %add3A_475 = arith.addi %mul3A_326, %add3A_474 : i32
        %get3A_476 = arith.index_cast %add3A_475 : i32 to index
        %get3A_477 = arith.constant 32 : index
        %get3A_478 = tpu.vector_load %arg8[%get3A_476, %get3A_477] {strides = array<i32>} : memref<200x64xf32, #tpu.memory_space<vmem>>, vector<1x16xf32>,
        %get3A_479 = vector.shape_cast %get3A_478 : vector<1x16xf32> to vector<16xf32>
        %add3A_480 = arith.constant 7 : i32
        %add3A_481 = arith.addi %mul3A_326, %add3A_480 : i32
        %get3A_482 = arith.index_cast %add3A_481 : i32 to index
        %get3A_483 = arith.constant 32 : index
        %get3A_484 = tpu.vector_load %arg8[%get3A_482, %get3A_483] {strides = array<i32>} : memref<200x64xf32, #tpu.memory_space<vmem>>, vector<1x16xf32>,
        %get3A_485 = vector.shape_cast %get3A_484 : vector<1x16xf32> to vector<16xf32>
        %add3A_486 = arith.addf %get3A_443, %get3A_449 : vector<16xf32>
        %add3A_487 = arith.addf %get3A_455, %get3A_461 : vector<16xf32>
        %add3A_488 = arith.addf %get3A_467, %get3A_473 : vector<16xf32>
        %add3A_489 = arith.addf %get3A_479, %get3A_485 : vector<16xf32>
        %add3A_490 = arith.addf %add3A_486, %add3A_487 : vector<16xf32>
        %add3A_491 = arith.addf %add3A_488, %add3A_489 : vector<16xf32>
        %add3A_492 = arith.addf %add3A_490, %add3A_491 : vector<16xf32>
        %add3A_493 = arith.addf %scan3A_323, %add3A_492 : vector<16xf32>
        %add3A_494 = arith.constant 0 : i32
        %add3A_495 = arith.addi %mul3A_326, %add3A_494 : i32
        %get3A_496 = arith.index_cast %add3A_495 : i32 to index
        %get3A_497 = arith.constant 48 : index
        %get3A_498 = tpu.vector_load %arg8[%get3A_496, %get3A_497] {strides = array<i32>} : memref<200x64xf32, #tpu.memory_space<vmem>>, vector<1x16xf32>,
        %get3A_499 = vector.shape_cast %get3A_498 : vector<1x16xf32> to vector<16xf32>
        %add3A_500 = arith.constant 1 : i32
        %add3A_501 = arith.addi %mul3A_326, %add3A_500 : i32
        %get3A_502 = arith.index_cast %add3A_501 : i32 to index
        %get3A_503 = arith.constant 48 : index
        %get3A_504 = tpu.vector_load %arg8[%get3A_502, %get3A_503] {strides = array<i32>} : memref<200x64xf32, #tpu.memory_space<vmem>>, vector<1x16xf32>,
        %get3A_505 = vector.shape_cast %get3A_504 : vector<1x16xf32> to vector<16xf32>
        %add3A_506 = arith.constant 2 : i32
        %add3A_507 = arith.addi %mul3A_326, %add3A_506 : i32
        %get3A_508 = arith.index_cast %add3A_507 : i32 to index
        %get3A_509 = arith.constant 48 : index
        %get3A_510 = tpu.vector_load %arg8[%get3A_508, %get3A_509] {strides = array<i32>} : memref<200x64xf32, #tpu.memory_space<vmem>>, vector<1x16xf32>,
        %get3A_511 = vector.shape_cast %get3A_510 : vector<1x16xf32> to vector<16xf32>
        %add3A_512 = arith.constant 3 : i32
        %add3A_513 = arith.addi %mul3A_326, %add3A_512 : i32
        %get3A_514 = arith.index_cast %add3A_513 : i32 to index
        %get3A_515 = arith.constant 48 : index
        %get3A_516 = tpu.vector_load %arg8[%get3A_514, %get3A_515] {strides = array<i32>} : memref<200x64xf32, #tpu.memory_space<vmem>>, vector<1x16xf32>,
        %get3A_517 = vector.shape_cast %get3A_516 : vector<1x16xf32> to vector<16xf32>
        %add3A_518 = arith.constant 4 : i32
        %add3A_519 = arith.addi %mul3A_326, %add3A_518 : i32
        %get3A_520 = arith.index_cast %add3A_519 : i32 to index
        %get3A_521 = arith.constant 48 : index
        %get3A_522 = tpu.vector_load %arg8[%get3A_520, %get3A_521] {strides = array<i32>} : memref<200x64xf32, #tpu.memory_space<vmem>>, vector<1x16xf32>,
        %get3A_523 = vector.shape_cast %get3A_522 : vector<1x16xf32> to vector<16xf32>
        %add3A_524 = arith.constant 5 : i32
        %add3A_525 = arith.addi %mul3A_326, %add3A_524 : i32
        %get3A_526 = arith.index_cast %add3A_525 : i32 to index
        %get3A_527 = arith.constant 48 : index
        %get3A_528 = tpu.vector_load %arg8[%get3A_526, %get3A_527] {strides = array<i32>} : memref<200x64xf32, #tpu.memory_space<vmem>>, vector<1x16xf32>,
        %get3A_529 = vector.shape_cast %get3A_528 : vector<1x16xf32> to vector<16xf32>
        %add3A_530 = arith.constant 6 : i32
        %add3A_531 = arith.addi %mul3A_326, %add3A_530 : i32
        %get3A_532 = arith.index_cast %add3A_531 : i32 to index
        %get3A_533 = arith.constant 48 : index
        %get3A_534 = tpu.vector_load %arg8[%get3A_532, %get3A_533] {strides = array<i32>} : memref<200x64xf32, #tpu.memory_space<vmem>>, vector<1x16xf32>,
        %get3A_535 = vector.shape_cast %get3A_534 : vector<1x16xf32> to vector<16xf32>
        %add3A_536 = arith.constant 7 : i32
        %add3A_537 = arith.addi %mul3A_326, %add3A_536 : i32
        %get3A_538 = arith.index_cast %add3A_537 : i32 to index
        %get3A_539 = arith.constant 48 : index
        %get3A_540 = tpu.vector_load %arg8[%get3A_538, %get3A_539] {strides = array<i32>} : memref<200x64xf32, #tpu.memory_space<vmem>>, vector<1x16xf32>,
        %get3A_541 = vector.shape_cast %get3A_540 : vector<1x16xf32> to vector<16xf32>
        %add3A_542 = arith.addf %get3A_499, %get3A_505 : vector<16xf32>
        %add3A_543 = arith.addf %get3A_511, %get3A_517 : vector<16xf32>
        %add3A_544 = arith.addf %get3A_523, %get3A_529 : vector<16xf32>
        %add3A_545 = arith.addf %get3A_535, %get3A_541 : vector<16xf32>
        %add3A_546 = arith.addf %add3A_542, %add3A_543 : vector<16xf32>
        %add3A_547 = arith.addf %add3A_544, %add3A_545 : vector<16xf32>
        %add3A_548 = arith.addf %add3A_546, %add3A_547 : vector<16xf32>
        %add3A_549 = arith.addf %scan3A_324, %add3A_548 : vector<16xf32>
        scf.yield %add3A_381, %add3A_437, %add3A_493, %add3A_549 : vector<16xf32>, vector<16xf32>, vector<16xf32>, vector<16xf32>
      }
      %scan3A_235 = arith.constant 25 : i32
      %swap3A_236 = arith.index_cast %add3A_209 : i32 to index
      %swap3A_237 = arith.constant 0 : index
      %swap3A_238 = tpu.vector_load %arg10[%swap3A_236, %swap3A_237] {strides = array<i32>} : memref<128x64xf32, #tpu.memory_space<vmem>>, vector<1x16xf32>,
      %swap3A_239 = vector.shape_cast %swap3A_238 : vector<1x16xf32> to vector<16xf32>
      %swap3A_240 = vector.shape_cast %scan3A_234#0 : vector<16xf32> to vector<1x16xf32>
      tpu.vector_store %arg10[%swap3A_236, %swap3A_237], %swap3A_240 {strides = array<i32>} : memref<128x64xf32, #tpu.memory_space<vmem>>, vector<1x16xf32>,
      %swap3A_241 = arith.index_cast %add3A_209 : i32 to index
      %swap3A_242 = arith.constant 16 : index
      %swap3A_243 = tpu.vector_load %arg10[%swap3A_241, %swap3A_242] {strides = array<i32>} : memref<128x64xf32, #tpu.memory_space<vmem>>, vector<1x16xf32>,
      %swap3A_244 = vector.shape_cast %swap3A_243 : vector<1x16xf32> to vector<16xf32>
      %swap3A_245 = vector.shape_cast %scan3A_234#1 : vector<16xf32> to vector<1x16xf32>
      tpu.vector_store %arg10[%swap3A_241, %swap3A_242], %swap3A_245 {strides = array<i32>} : memref<128x64xf32, #tpu.memory_space<vmem>>, vector<1x16xf32>,
      %swap3A_246 = arith.index_cast %add3A_209 : i32 to index
      %swap3A_247 = arith.constant 32 : index
      %swap3A_248 = tpu.vector_load %arg10[%swap3A_246, %swap3A_247] {strides = array<i32>} : memref<128x64xf32, #tpu.memory_space<vmem>>, vector<1x16xf32>,
      %swap3A_249 = vector.shape_cast %swap3A_248 : vector<1x16xf32> to vector<16xf32>
      %swap3A_250 = vector.shape_cast %scan3A_234#2 : vector<16xf32> to vector<1x16xf32>
      tpu.vector_store %arg10[%swap3A_246, %swap3A_247], %swap3A_250 {strides = array<i32>} : memref<128x64xf32, #tpu.memory_space<vmem>>, vector<1x16xf32>,
      %swap3A_251 = arith.index_cast %add3A_209 : i32 to index
      %swap3A_252 = arith.constant 48 : index
      %swap3A_253 = tpu.vector_load %arg10[%swap3A_251, %swap3A_252] {strides = array<i32>} : memref<128x64xf32, #tpu.memory_space<vmem>>, vector<1x16xf32>,
      %swap3A_254 = vector.shape_cast %swap3A_253 : vector<1x16xf32> to vector<16xf32>
      %swap3A_255 = vector.shape_cast %scan3A_234#3 : vector<16xf32> to vector<1x16xf32>
      tpu.vector_store %arg10[%swap3A_251, %swap3A_252], %swap3A_255 {strides = array<i32>} : memref<128x64xf32, #tpu.memory_space<vmem>>, vector<1x16xf32>,
      %add3A_256 = arith.constant 4 : i32
      %add3A_257 = arith.addi %add3A_209, %add3A_256 : i32
      %lt3A_258 = arith.constant 128 : i32
      %lt3A_259 = arith.cmpi slt, %add3A_257, %lt3A_258 : i32
      %convert_element_type3A_260 = arith.extui %lt3A_259 : i1 to i32
      %cond3A_261 = arith.constant 0 : i32
      %cond3A_262 = arith.cmpi ne, %convert_element_type3A_260, %cond3A_261 : i32
      scf.if %cond3A_262 {
        %dma_start3A_320 = arith.constant 0 : i32
        %dma_start3A_321 = arith.constant 0 : i32
        %dma_start3A_322 = arith.constant 0 : i32
        %dma_start3A_323 = tpu.memref_slice %arg8[%dma_start3A_321, %dma_start3A_322] : memref<200x64xf32, #tpu.memory_space<vmem>> -> memref<100x64xf32, #tpu.memory_space<vmem>>
        %dma_start3A_324 = arith.constant 0 : i32
        %dma_start3A_325 = tpu.memref_slice %arg5[%add3A_257, %dma_start3A_320, %dma_start3A_324] : memref<128x2x100xi32, #tpu.memory_space<vmem>> -> memref<1x1x100xi32, #tpu.memory_space<vmem>>
        %dma_start3A_326 = tpu.memref_squeeze %dma_start3A_325 : memref<1x1x100xi32, #tpu.memory_space<vmem>> -> memref<100xi32, #tpu.memory_space<vmem>>
        %dma_start3A_327 = arith.constant 0 : i32
        %dma_start3A_328 = arith.constant 0 : i32
        %dma_start3A_329 = tpu.memref_slice %arg3[%dma_start3A_327, %dma_start3A_328] : memref<1000000x64xf32, #tpu.memory_space<hbm>> -> memref<1000000x64xf32, #tpu.memory_space<hbm>>
        tpu.enqueue_indirect_dma source(%dma_start3A_329 : memref<1000000x64xf32, #tpu.memory_space<hbm>>) target(%dma_start3A_323 : memref<100x64xf32, #tpu.memory_space<vmem>>) offsets(%dma_start3A_326 : memref<100xi32, #tpu.memory_space<vmem>>) semaphore(%arg13 : memref<!tpu.dma_semaphore, #tpu.memory_space<semaphore_mem>>)
        %dma_start3A_330 = arith.constant 1 : i32
        %dma_start3A_331 = arith.constant 100 : i32
        %dma_start3A_332 = arith.constant 0 : i32
        %dma_start3A_333 = tpu.memref_slice %arg8[%dma_start3A_331, %dma_start3A_332] : memref<200x64xf32, #tpu.memory_space<vmem>> -> memref<100x64xf32, #tpu.memory_space<vmem>>
        %dma_start3A_334 = arith.constant 0 : i32
        %dma_start3A_335 = tpu.memref_slice %arg5[%add3A_257, %dma_start3A_330, %dma_start3A_334] : memref<128x2x100xi32, #tpu.memory_space<vmem>> -> memref<1x1x100xi32, #tpu.memory_space<vmem>>
        %dma_start3A_336 = tpu.memref_squeeze %dma_start3A_335 : memref<1x1x100xi32, #tpu.memory_space<vmem>> -> memref<100xi32, #tpu.memory_space<vmem>>
        %dma_start3A_337 = arith.constant 0 : i32
        %dma_start3A_338 = arith.constant 0 : i32
        %dma_start3A_339 = tpu.memref_slice %arg3[%dma_start3A_337, %dma_start3A_338] : memref<1000000x64xf32, #tpu.memory_space<hbm>> -> memref<1000000x64xf32, #tpu.memory_space<hbm>>
        tpu.enqueue_indirect_dma source(%dma_start3A_339 : memref<1000000x64xf32, #tpu.memory_space<hbm>>) target(%dma_start3A_333 : memref<100x64xf32, #tpu.memory_space<vmem>>) offsets(%dma_start3A_336 : memref<100xi32, #tpu.memory_space<vmem>>) semaphore(%arg13 : memref<!tpu.dma_semaphore, #tpu.memory_space<semaphore_mem>>)
      } else {
      }
      %mul3A_263 = arith.constant 4 : i32
      %mul3A_264 = arith.muli %scan3A_96, %mul3A_263 : i32
      %add3A_265 = arith.constant 3 : i32
      %add3A_266 = arith.addi %mul3A_264, %add3A_265 : i32
      %dma_wait3A_267 = arith.constant 0 : i32
      %dma_wait3A_268 = arith.constant 0 : i32
      %dma_wait3A_269 = arith.constant 0 : i32
      %dma_wait3A_270 = tpu.memref_slice %arg9[%dma_wait3A_268, %dma_wait3A_269] : memref<200x64xf32, #tpu.memory_space<vmem>> -> memref<100x64xf32, #tpu.memory_space<vmem>>
      %dma_wait3A_271 = arith.constant 0 : i32
      %dma_wait3A_272 = tpu.memref_slice %arg5[%add3A_266, %dma_wait3A_267, %dma_wait3A_271] : memref<128x2x100xi32, #tpu.memory_space<vmem>> -> memref<1x1x100xi32, #tpu.memory_space<vmem>>
      %dma_wait3A_273 = tpu.memref_squeeze %dma_wait3A_272 : memref<1x1x100xi32, #tpu.memory_space<vmem>> -> memref<100xi32, #tpu.memory_space<vmem>>
      %dma_wait3A_274 = arith.constant 0 : i32
      %dma_wait3A_275 = arith.constant 0 : i32
      %dma_wait3A_276 = tpu.memref_slice %arg3[%dma_wait3A_274, %dma_wait3A_275] : memref<1000000x64xf32, #tpu.memory_space<hbm>> -> memref<1000000x64xf32, #tpu.memory_space<hbm>>
      tpu.wait_indirect_dma semaphore(%arg14 : memref<!tpu.dma_semaphore, #tpu.memory_space<semaphore_mem>>) src(%dma_wait3A_276 : memref<1000000x64xf32, #tpu.memory_space<hbm>>) dst(%dma_wait3A_270 : memref<100x64xf32, #tpu.memory_space<vmem>>)
      %dma_wait3A_277 = arith.constant 1 : i32
      %dma_wait3A_278 = arith.constant 100 : i32
      %dma_wait3A_279 = arith.constant 0 : i32
      %dma_wait3A_280 = tpu.memref_slice %arg9[%dma_wait3A_278, %dma_wait3A_279] : memref<200x64xf32, #tpu.memory_space<vmem>> -> memref<100x64xf32, #tpu.memory_space<vmem>>
      %dma_wait3A_281 = arith.constant 0 : i32
      %dma_wait3A_282 = tpu.memref_slice %arg5[%add3A_266, %dma_wait3A_277, %dma_wait3A_281] : memref<128x2x100xi32, #tpu.memory_space<vmem>> -> memref<1x1x100xi32, #tpu.memory_space<vmem>>
      %dma_wait3A_283 = tpu.memref_squeeze %dma_wait3A_282 : memref<1x1x100xi32, #tpu.memory_space<vmem>> -> memref<100xi32, #tpu.memory_space<vmem>>
      %dma_wait3A_284 = arith.constant 0 : i32
      %dma_wait3A_285 = arith.constant 0 : i32
      %dma_wait3A_286 = tpu.memref_slice %arg3[%dma_wait3A_284, %dma_wait3A_285] : memref<1000000x64xf32, #tpu.memory_space<hbm>> -> memref<1000000x64xf32, #tpu.memory_space<hbm>>
      tpu.wait_indirect_dma semaphore(%arg14 : memref<!tpu.dma_semaphore, #tpu.memory_space<semaphore_mem>>) src(%dma_wait3A_286 : memref<1000000x64xf32, #tpu.memory_space<hbm>>) dst(%dma_wait3A_280 : memref<100x64xf32, #tpu.memory_space<vmem>>)
      %scan3A_287 = arith.constant 0 : i32
      %scan3A_288 = arith.constant 25 : i32
      %scan3A_289 = arith.addi %scan3A_287, %scan3A_288 : i32
      %scan3A_290 = arith.constant 1 : i32
      %scan3A_291:4 = scf.for %scan3A_320 = %scan3A_287 to %scan3A_289 step %scan3A_290 iter_args(%scan3A_321 = %broadcast_in_dim3A_90, %scan3A_322 = %broadcast_in_dim3A_90, %scan3A_323 = %broadcast_in_dim3A_90, %scan3A_324 = %broadcast_in_dim3A_90) -> (vector<16xf32>, vector<16xf32>, vector<16xf32>, vector<16xf32>)  : i32 {
        %mul3A_325 = arith.constant 8 : i32
        %mul3A_326 = arith.muli %scan3A_320, %mul3A_325 : i32
        %add3A_327 = arith.constant 0 : i32
        %add3A_328 = arith.addi %mul3A_326, %add3A_327 : i32
        %get3A = arith.index_cast %add3A_328 : i32 to index
        %get3A_329 = arith.constant 0 : index
        %get3A_330 = tpu.vector_load %arg9[%get3A, %get3A_329] {strides = array<i32>} : memref<200x64xf32, #tpu.memory_space<vmem>>, vector<1x16xf32>,
        %get3A_331 = vector.shape_cast %get3A_330 : vector<1x16xf32> to vector<16xf32>
        %add3A_332 = arith.constant 1 : i32
        %add3A_333 = arith.addi %mul3A_326, %add3A_332 : i32
        %get3A_334 = arith.index_cast %add3A_333 : i32 to index
        %get3A_335 = arith.constant 0 : index
        %get3A_336 = tpu.vector_load %arg9[%get3A_334, %get3A_335] {strides = array<i32>} : memref<200x64xf32, #tpu.memory_space<vmem>>, vector<1x16xf32>,
        %get3A_337 = vector.shape_cast %get3A_336 : vector<1x16xf32> to vector<16xf32>
        %add3A_338 = arith.constant 2 : i32
        %add3A_339 = arith.addi %mul3A_326, %add3A_338 : i32
        %get3A_340 = arith.index_cast %add3A_339 : i32 to index
        %get3A_341 = arith.constant 0 : index
        %get3A_342 = tpu.vector_load %arg9[%get3A_340, %get3A_341] {strides = array<i32>} : memref<200x64xf32, #tpu.memory_space<vmem>>, vector<1x16xf32>,
        %get3A_343 = vector.shape_cast %get3A_342 : vector<1x16xf32> to vector<16xf32>
        %add3A_344 = arith.constant 3 : i32
        %add3A_345 = arith.addi %mul3A_326, %add3A_344 : i32
        %get3A_346 = arith.index_cast %add3A_345 : i32 to index
        %get3A_347 = arith.constant 0 : index
        %get3A_348 = tpu.vector_load %arg9[%get3A_346, %get3A_347] {strides = array<i32>} : memref<200x64xf32, #tpu.memory_space<vmem>>, vector<1x16xf32>,
        %get3A_349 = vector.shape_cast %get3A_348 : vector<1x16xf32> to vector<16xf32>
        %add3A_350 = arith.constant 4 : i32
        %add3A_351 = arith.addi %mul3A_326, %add3A_350 : i32
        %get3A_352 = arith.index_cast %add3A_351 : i32 to index
        %get3A_353 = arith.constant 0 : index
        %get3A_354 = tpu.vector_load %arg9[%get3A_352, %get3A_353] {strides = array<i32>} : memref<200x64xf32, #tpu.memory_space<vmem>>, vector<1x16xf32>,
        %get3A_355 = vector.shape_cast %get3A_354 : vector<1x16xf32> to vector<16xf32>
        %add3A_356 = arith.constant 5 : i32
        %add3A_357 = arith.addi %mul3A_326, %add3A_356 : i32
        %get3A_358 = arith.index_cast %add3A_357 : i32 to index
        %get3A_359 = arith.constant 0 : index
        %get3A_360 = tpu.vector_load %arg9[%get3A_358, %get3A_359] {strides = array<i32>} : memref<200x64xf32, #tpu.memory_space<vmem>>, vector<1x16xf32>,
        %get3A_361 = vector.shape_cast %get3A_360 : vector<1x16xf32> to vector<16xf32>
        %add3A_362 = arith.constant 6 : i32
        %add3A_363 = arith.addi %mul3A_326, %add3A_362 : i32
        %get3A_364 = arith.index_cast %add3A_363 : i32 to index
        %get3A_365 = arith.constant 0 : index
        %get3A_366 = tpu.vector_load %arg9[%get3A_364, %get3A_365] {strides = array<i32>} : memref<200x64xf32, #tpu.memory_space<vmem>>, vector<1x16xf32>,
        %get3A_367 = vector.shape_cast %get3A_366 : vector<1x16xf32> to vector<16xf32>
        %add3A_368 = arith.constant 7 : i32
        %add3A_369 = arith.addi %mul3A_326, %add3A_368 : i32
        %get3A_370 = arith.index_cast %add3A_369 : i32 to index
        %get3A_371 = arith.constant 0 : index
        %get3A_372 = tpu.vector_load %arg9[%get3A_370, %get3A_371] {strides = array<i32>} : memref<200x64xf32, #tpu.memory_space<vmem>>, vector<1x16xf32>,
        %get3A_373 = vector.shape_cast %get3A_372 : vector<1x16xf32> to vector<16xf32>
        %add3A_374 = arith.addf %get3A_331, %get3A_337 : vector<16xf32>
        %add3A_375 = arith.addf %get3A_343, %get3A_349 : vector<16xf32>
        %add3A_376 = arith.addf %get3A_355, %get3A_361 : vector<16xf32>
        %add3A_377 = arith.addf %get3A_367, %get3A_373 : vector<16xf32>
        %add3A_378 = arith.addf %add3A_374, %add3A_375 : vector<16xf32>
        %add3A_379 = arith.addf %add3A_376, %add3A_377 : vector<16xf32>
        %add3A_380 = arith.addf %add3A_378, %add3A_379 : vector<16xf32>
        %add3A_381 = arith.addf %scan3A_321, %add3A_380 : vector<16xf32>
        %add3A_382 = arith.constant 0 : i32
        %add3A_383 = arith.addi %mul3A_326, %add3A_382 : i32
        %get3A_384 = arith.index_cast %add3A_383 : i32 to index
        %get3A_385 = arith.constant 16 : index
        %get3A_386 = tpu.vector_load %arg9[%get3A_384, %get3A_385] {strides = array<i32>} : memref<200x64xf32, #tpu.memory_space<vmem>>, vector<1x16xf32>,
        %get3A_387 = vector.shape_cast %get3A_386 : vector<1x16xf32> to vector<16xf32>
        %add3A_388 = arith.constant 1 : i32
        %add3A_389 = arith.addi %mul3A_326, %add3A_388 : i32
        %get3A_390 = arith.index_cast %add3A_389 : i32 to index
        %get3A_391 = arith.constant 16 : index
        %get3A_392 = tpu.vector_load %arg9[%get3A_390, %get3A_391] {strides = array<i32>} : memref<200x64xf32, #tpu.memory_space<vmem>>, vector<1x16xf32>,
        %get3A_393 = vector.shape_cast %get3A_392 : vector<1x16xf32> to vector<16xf32>
        %add3A_394 = arith.constant 2 : i32
        %add3A_395 = arith.addi %mul3A_326, %add3A_394 : i32
        %get3A_396 = arith.index_cast %add3A_395 : i32 to index
        %get3A_397 = arith.constant 16 : index
        %get3A_398 = tpu.vector_load %arg9[%get3A_396, %get3A_397] {strides = array<i32>} : memref<200x64xf32, #tpu.memory_space<vmem>>, vector<1x16xf32>,
        %get3A_399 = vector.shape_cast %get3A_398 : vector<1x16xf32> to vector<16xf32>
        %add3A_400 = arith.constant 3 : i32
        %add3A_401 = arith.addi %mul3A_326, %add3A_400 : i32
        %get3A_402 = arith.index_cast %add3A_401 : i32 to index
        %get3A_403 = arith.constant 16 : index
        %get3A_404 = tpu.vector_load %arg9[%get3A_402, %get3A_403] {strides = array<i32>} : memref<200x64xf32, #tpu.memory_space<vmem>>, vector<1x16xf32>,
        %get3A_405 = vector.shape_cast %get3A_404 : vector<1x16xf32> to vector<16xf32>
        %add3A_406 = arith.constant 4 : i32
        %add3A_407 = arith.addi %mul3A_326, %add3A_406 : i32
        %get3A_408 = arith.index_cast %add3A_407 : i32 to index
        %get3A_409 = arith.constant 16 : index
        %get3A_410 = tpu.vector_load %arg9[%get3A_408, %get3A_409] {strides = array<i32>} : memref<200x64xf32, #tpu.memory_space<vmem>>, vector<1x16xf32>,
        %get3A_411 = vector.shape_cast %get3A_410 : vector<1x16xf32> to vector<16xf32>
        %add3A_412 = arith.constant 5 : i32
        %add3A_413 = arith.addi %mul3A_326, %add3A_412 : i32
        %get3A_414 = arith.index_cast %add3A_413 : i32 to index
        %get3A_415 = arith.constant 16 : index
        %get3A_416 = tpu.vector_load %arg9[%get3A_414, %get3A_415] {strides = array<i32>} : memref<200x64xf32, #tpu.memory_space<vmem>>, vector<1x16xf32>,
        %get3A_417 = vector.shape_cast %get3A_416 : vector<1x16xf32> to vector<16xf32>
        %add3A_418 = arith.constant 6 : i32
        %add3A_419 = arith.addi %mul3A_326, %add3A_418 : i32
        %get3A_420 = arith.index_cast %add3A_419 : i32 to index
        %get3A_421 = arith.constant 16 : index
        %get3A_422 = tpu.vector_load %arg9[%get3A_420, %get3A_421] {strides = array<i32>} : memref<200x64xf32, #tpu.memory_space<vmem>>, vector<1x16xf32>,
        %get3A_423 = vector.shape_cast %get3A_422 : vector<1x16xf32> to vector<16xf32>
        %add3A_424 = arith.constant 7 : i32
        %add3A_425 = arith.addi %mul3A_326, %add3A_424 : i32
        %get3A_426 = arith.index_cast %add3A_425 : i32 to index
        %get3A_427 = arith.constant 16 : index
        %get3A_428 = tpu.vector_load %arg9[%get3A_426, %get3A_427] {strides = array<i32>} : memref<200x64xf32, #tpu.memory_space<vmem>>, vector<1x16xf32>,
        %get3A_429 = vector.shape_cast %get3A_428 : vector<1x16xf32> to vector<16xf32>
        %add3A_430 = arith.addf %get3A_387, %get3A_393 : vector<16xf32>
        %add3A_431 = arith.addf %get3A_399, %get3A_405 : vector<16xf32>
        %add3A_432 = arith.addf %get3A_411, %get3A_417 : vector<16xf32>
        %add3A_433 = arith.addf %get3A_423, %get3A_429 : vector<16xf32>
        %add3A_434 = arith.addf %add3A_430, %add3A_431 : vector<16xf32>
        %add3A_435 = arith.addf %add3A_432, %add3A_433 : vector<16xf32>
        %add3A_436 = arith.addf %add3A_434, %add3A_435 : vector<16xf32>
        %add3A_437 = arith.addf %scan3A_322, %add3A_436 : vector<16xf32>
        %add3A_438 = arith.constant 0 : i32
        %add3A_439 = arith.addi %mul3A_326, %add3A_438 : i32
        %get3A_440 = arith.index_cast %add3A_439 : i32 to index
        %get3A_441 = arith.constant 32 : index
        %get3A_442 = tpu.vector_load %arg9[%get3A_440, %get3A_441] {strides = array<i32>} : memref<200x64xf32, #tpu.memory_space<vmem>>, vector<1x16xf32>,
        %get3A_443 = vector.shape_cast %get3A_442 : vector<1x16xf32> to vector<16xf32>
        %add3A_444 = arith.constant 1 : i32
        %add3A_445 = arith.addi %mul3A_326, %add3A_444 : i32
        %get3A_446 = arith.index_cast %add3A_445 : i32 to index
        %get3A_447 = arith.constant 32 : index
        %get3A_448 = tpu.vector_load %arg9[%get3A_446, %get3A_447] {strides = array<i32>} : memref<200x64xf32, #tpu.memory_space<vmem>>, vector<1x16xf32>,
        %get3A_449 = vector.shape_cast %get3A_448 : vector<1x16xf32> to vector<16xf32>
        %add3A_450 = arith.constant 2 : i32
        %add3A_451 = arith.addi %mul3A_326, %add3A_450 : i32
        %get3A_452 = arith.index_cast %add3A_451 : i32 to index
        %get3A_453 = arith.constant 32 : index
        %get3A_454 = tpu.vector_load %arg9[%get3A_452, %get3A_453] {strides = array<i32>} : memref<200x64xf32, #tpu.memory_space<vmem>>, vector<1x16xf32>,
        %get3A_455 = vector.shape_cast %get3A_454 : vector<1x16xf32> to vector<16xf32>
        %add3A_456 = arith.constant 3 : i32
        %add3A_457 = arith.addi %mul3A_326, %add3A_456 : i32
        %get3A_458 = arith.index_cast %add3A_457 : i32 to index
        %get3A_459 = arith.constant 32 : index
        %get3A_460 = tpu.vector_load %arg9[%get3A_458, %get3A_459] {strides = array<i32>} : memref<200x64xf32, #tpu.memory_space<vmem>>, vector<1x16xf32>,
        %get3A_461 = vector.shape_cast %get3A_460 : vector<1x16xf32> to vector<16xf32>
        %add3A_462 = arith.constant 4 : i32
        %add3A_463 = arith.addi %mul3A_326, %add3A_462 : i32
        %get3A_464 = arith.index_cast %add3A_463 : i32 to index
        %get3A_465 = arith.constant 32 : index
        %get3A_466 = tpu.vector_load %arg9[%get3A_464, %get3A_465] {strides = array<i32>} : memref<200x64xf32, #tpu.memory_space<vmem>>, vector<1x16xf32>,
        %get3A_467 = vector.shape_cast %get3A_466 : vector<1x16xf32> to vector<16xf32>
        %add3A_468 = arith.constant 5 : i32
        %add3A_469 = arith.addi %mul3A_326, %add3A_468 : i32
        %get3A_470 = arith.index_cast %add3A_469 : i32 to index
        %get3A_471 = arith.constant 32 : index
        %get3A_472 = tpu.vector_load %arg9[%get3A_470, %get3A_471] {strides = array<i32>} : memref<200x64xf32, #tpu.memory_space<vmem>>, vector<1x16xf32>,
        %get3A_473 = vector.shape_cast %get3A_472 : vector<1x16xf32> to vector<16xf32>
        %add3A_474 = arith.constant 6 : i32
        %add3A_475 = arith.addi %mul3A_326, %add3A_474 : i32
        %get3A_476 = arith.index_cast %add3A_475 : i32 to index
        %get3A_477 = arith.constant 32 : index
        %get3A_478 = tpu.vector_load %arg9[%get3A_476, %get3A_477] {strides = array<i32>} : memref<200x64xf32, #tpu.memory_space<vmem>>, vector<1x16xf32>,
        %get3A_479 = vector.shape_cast %get3A_478 : vector<1x16xf32> to vector<16xf32>
        %add3A_480 = arith.constant 7 : i32
        %add3A_481 = arith.addi %mul3A_326, %add3A_480 : i32
        %get3A_482 = arith.index_cast %add3A_481 : i32 to index
        %get3A_483 = arith.constant 32 : index
        %get3A_484 = tpu.vector_load %arg9[%get3A_482, %get3A_483] {strides = array<i32>} : memref<200x64xf32, #tpu.memory_space<vmem>>, vector<1x16xf32>,
        %get3A_485 = vector.shape_cast %get3A_484 : vector<1x16xf32> to vector<16xf32>
        %add3A_486 = arith.addf %get3A_443, %get3A_449 : vector<16xf32>
        %add3A_487 = arith.addf %get3A_455, %get3A_461 : vector<16xf32>
        %add3A_488 = arith.addf %get3A_467, %get3A_473 : vector<16xf32>
        %add3A_489 = arith.addf %get3A_479, %get3A_485 : vector<16xf32>
        %add3A_490 = arith.addf %add3A_486, %add3A_487 : vector<16xf32>
        %add3A_491 = arith.addf %add3A_488, %add3A_489 : vector<16xf32>
        %add3A_492 = arith.addf %add3A_490, %add3A_491 : vector<16xf32>
        %add3A_493 = arith.addf %scan3A_323, %add3A_492 : vector<16xf32>
        %add3A_494 = arith.constant 0 : i32
        %add3A_495 = arith.addi %mul3A_326, %add3A_494 : i32
        %get3A_496 = arith.index_cast %add3A_495 : i32 to index
        %get3A_497 = arith.constant 48 : index
        %get3A_498 = tpu.vector_load %arg9[%get3A_496, %get3A_497] {strides = array<i32>} : memref<200x64xf32, #tpu.memory_space<vmem>>, vector<1x16xf32>,
        %get3A_499 = vector.shape_cast %get3A_498 : vector<1x16xf32> to vector<16xf32>
        %add3A_500 = arith.constant 1 : i32
        %add3A_501 = arith.addi %mul3A_326, %add3A_500 : i32
        %get3A_502 = arith.index_cast %add3A_501 : i32 to index
        %get3A_503 = arith.constant 48 : index
        %get3A_504 = tpu.vector_load %arg9[%get3A_502, %get3A_503] {strides = array<i32>} : memref<200x64xf32, #tpu.memory_space<vmem>>, vector<1x16xf32>,
        %get3A_505 = vector.shape_cast %get3A_504 : vector<1x16xf32> to vector<16xf32>
        %add3A_506 = arith.constant 2 : i32
        %add3A_507 = arith.addi %mul3A_326, %add3A_506 : i32
        %get3A_508 = arith.index_cast %add3A_507 : i32 to index
        %get3A_509 = arith.constant 48 : index
        %get3A_510 = tpu.vector_load %arg9[%get3A_508, %get3A_509] {strides = array<i32>} : memref<200x64xf32, #tpu.memory_space<vmem>>, vector<1x16xf32>,
        %get3A_511 = vector.shape_cast %get3A_510 : vector<1x16xf32> to vector<16xf32>
        %add3A_512 = arith.constant 3 : i32
        %add3A_513 = arith.addi %mul3A_326, %add3A_512 : i32
        %get3A_514 = arith.index_cast %add3A_513 : i32 to index
        %get3A_515 = arith.constant 48 : index
        %get3A_516 = tpu.vector_load %arg9[%get3A_514, %get3A_515] {strides = array<i32>} : memref<200x64xf32, #tpu.memory_space<vmem>>, vector<1x16xf32>,
        %get3A_517 = vector.shape_cast %get3A_516 : vector<1x16xf32> to vector<16xf32>
        %add3A_518 = arith.constant 4 : i32
        %add3A_519 = arith.addi %mul3A_326, %add3A_518 : i32
        %get3A_520 = arith.index_cast %add3A_519 : i32 to index
        %get3A_521 = arith.constant 48 : index
        %get3A_522 = tpu.vector_load %arg9[%get3A_520, %get3A_521] {strides = array<i32>} : memref<200x64xf32, #tpu.memory_space<vmem>>, vector<1x16xf32>,
        %get3A_523 = vector.shape_cast %get3A_522 : vector<1x16xf32> to vector<16xf32>
        %add3A_524 = arith.constant 5 : i32
        %add3A_525 = arith.addi %mul3A_326, %add3A_524 : i32
        %get3A_526 = arith.index_cast %add3A_525 : i32 to index
        %get3A_527 = arith.constant 48 : index
        %get3A_528 = tpu.vector_load %arg9[%get3A_526, %get3A_527] {strides = array<i32>} : memref<200x64xf32, #tpu.memory_space<vmem>>, vector<1x16xf32>,
        %get3A_529 = vector.shape_cast %get3A_528 : vector<1x16xf32> to vector<16xf32>
        %add3A_530 = arith.constant 6 : i32
        %add3A_531 = arith.addi %mul3A_326, %add3A_530 : i32
        %get3A_532 = arith.index_cast %add3A_531 : i32 to index
        %get3A_533 = arith.constant 48 : index
        %get3A_534 = tpu.vector_load %arg9[%get3A_532, %get3A_533] {strides = array<i32>} : memref<200x64xf32, #tpu.memory_space<vmem>>, vector<1x16xf32>,
        %get3A_535 = vector.shape_cast %get3A_534 : vector<1x16xf32> to vector<16xf32>
        %add3A_536 = arith.constant 7 : i32
        %add3A_537 = arith.addi %mul3A_326, %add3A_536 : i32
        %get3A_538 = arith.index_cast %add3A_537 : i32 to index
        %get3A_539 = arith.constant 48 : index
        %get3A_540 = tpu.vector_load %arg9[%get3A_538, %get3A_539] {strides = array<i32>} : memref<200x64xf32, #tpu.memory_space<vmem>>, vector<1x16xf32>,
        %get3A_541 = vector.shape_cast %get3A_540 : vector<1x16xf32> to vector<16xf32>
        %add3A_542 = arith.addf %get3A_499, %get3A_505 : vector<16xf32>
        %add3A_543 = arith.addf %get3A_511, %get3A_517 : vector<16xf32>
        %add3A_544 = arith.addf %get3A_523, %get3A_529 : vector<16xf32>
        %add3A_545 = arith.addf %get3A_535, %get3A_541 : vector<16xf32>
        %add3A_546 = arith.addf %add3A_542, %add3A_543 : vector<16xf32>
        %add3A_547 = arith.addf %add3A_544, %add3A_545 : vector<16xf32>
        %add3A_548 = arith.addf %add3A_546, %add3A_547 : vector<16xf32>
        %add3A_549 = arith.addf %scan3A_324, %add3A_548 : vector<16xf32>
        scf.yield %add3A_381, %add3A_437, %add3A_493, %add3A_549 : vector<16xf32>, vector<16xf32>, vector<16xf32>, vector<16xf32>
      }
      %scan3A_292 = arith.constant 25 : i32
      %swap3A_293 = arith.index_cast %add3A_266 : i32 to index
      %swap3A_294 = arith.constant 0 : index
      %swap3A_295 = tpu.vector_load %arg10[%swap3A_293, %swap3A_294] {strides = array<i32>} : memref<128x64xf32, #tpu.memory_space<vmem>>, vector<1x16xf32>,
      %swap3A_296 = vector.shape_cast %swap3A_295 : vector<1x16xf32> to vector<16xf32>
      %swap3A_297 = vector.shape_cast %scan3A_291#0 : vector<16xf32> to vector<1x16xf32>
      tpu.vector_store %arg10[%swap3A_293, %swap3A_294], %swap3A_297 {strides = array<i32>} : memref<128x64xf32, #tpu.memory_space<vmem>>, vector<1x16xf32>,
      %swap3A_298 = arith.index_cast %add3A_266 : i32 to index
      %swap3A_299 = arith.constant 16 : index
      %swap3A_300 = tpu.vector_load %arg10[%swap3A_298, %swap3A_299] {strides = array<i32>} : memref<128x64xf32, #tpu.memory_space<vmem>>, vector<1x16xf32>,
      %swap3A_301 = vector.shape_cast %swap3A_300 : vector<1x16xf32> to vector<16xf32>
      %swap3A_302 = vector.shape_cast %scan3A_291#1 : vector<16xf32> to vector<1x16xf32>
      tpu.vector_store %arg10[%swap3A_298, %swap3A_299], %swap3A_302 {strides = array<i32>} : memref<128x64xf32, #tpu.memory_space<vmem>>, vector<1x16xf32>,
      %swap3A_303 = arith.index_cast %add3A_266 : i32 to index
      %swap3A_304 = arith.constant 32 : index
      %swap3A_305 = tpu.vector_load %arg10[%swap3A_303, %swap3A_304] {strides = array<i32>} : memref<128x64xf32, #tpu.memory_space<vmem>>, vector<1x16xf32>,
      %swap3A_306 = vector.shape_cast %swap3A_305 : vector<1x16xf32> to vector<16xf32>
      %swap3A_307 = vector.shape_cast %scan3A_291#2 : vector<16xf32> to vector<1x16xf32>
      tpu.vector_store %arg10[%swap3A_303, %swap3A_304], %swap3A_307 {strides = array<i32>} : memref<128x64xf32, #tpu.memory_space<vmem>>, vector<1x16xf32>,
      %swap3A_308 = arith.index_cast %add3A_266 : i32 to index
      %swap3A_309 = arith.constant 48 : index
      %swap3A_310 = tpu.vector_load %arg10[%swap3A_308, %swap3A_309] {strides = array<i32>} : memref<128x64xf32, #tpu.memory_space<vmem>>, vector<1x16xf32>,
      %swap3A_311 = vector.shape_cast %swap3A_310 : vector<1x16xf32> to vector<16xf32>
      %swap3A_312 = vector.shape_cast %scan3A_291#3 : vector<16xf32> to vector<1x16xf32>
      tpu.vector_store %arg10[%swap3A_308, %swap3A_309], %swap3A_312 {strides = array<i32>} : memref<128x64xf32, #tpu.memory_space<vmem>>, vector<1x16xf32>,
      %add3A_313 = arith.constant 4 : i32
      %add3A_314 = arith.addi %add3A_266, %add3A_313 : i32
      %lt3A_315 = arith.constant 128 : i32
      %lt3A_316 = arith.cmpi slt, %add3A_314, %lt3A_315 : i32
      %convert_element_type3A_317 = arith.extui %lt3A_316 : i1 to i32
      %cond3A_318 = arith.constant 0 : i32
      %cond3A_319 = arith.cmpi ne, %convert_element_type3A_317, %cond3A_318 : i32
      scf.if %cond3A_319 {
        %dma_start3A_320 = arith.constant 0 : i32
        %dma_start3A_321 = arith.constant 0 : i32
        %dma_start3A_322 = arith.constant 0 : i32
        %dma_start3A_323 = tpu.memref_slice %arg9[%dma_start3A_321, %dma_start3A_322] : memref<200x64xf32, #tpu.memory_space<vmem>> -> memref<100x64xf32, #tpu.memory_space<vmem>>
        %dma_start3A_324 = arith.constant 0 : i32
        %dma_start3A_325 = tpu.memref_slice %arg5[%add3A_314, %dma_start3A_320, %dma_start3A_324] : memref<128x2x100xi32, #tpu.memory_space<vmem>> -> memref<1x1x100xi32, #tpu.memory_space<vmem>>
        %dma_start3A_326 = tpu.memref_squeeze %dma_start3A_325 : memref<1x1x100xi32, #tpu.memory_space<vmem>> -> memref<100xi32, #tpu.memory_space<vmem>>
        %dma_start3A_327 = arith.constant 0 : i32
        %dma_start3A_328 = arith.constant 0 : i32
        %dma_start3A_329 = tpu.memref_slice %arg3[%dma_start3A_327, %dma_start3A_328] : memref<1000000x64xf32, #tpu.memory_space<hbm>> -> memref<1000000x64xf32, #tpu.memory_space<hbm>>
        tpu.enqueue_indirect_dma source(%dma_start3A_329 : memref<1000000x64xf32, #tpu.memory_space<hbm>>) target(%dma_start3A_323 : memref<100x64xf32, #tpu.memory_space<vmem>>) offsets(%dma_start3A_326 : memref<100xi32, #tpu.memory_space<vmem>>) semaphore(%arg14 : memref<!tpu.dma_semaphore, #tpu.memory_space<semaphore_mem>>)
        %dma_start3A_330 = arith.constant 1 : i32
        %dma_start3A_331 = arith.constant 100 : i32
        %dma_start3A_332 = arith.constant 0 : i32
        %dma_start3A_333 = tpu.memref_slice %arg9[%dma_start3A_331, %dma_start3A_332] : memref<200x64xf32, #tpu.memory_space<vmem>> -> memref<100x64xf32, #tpu.memory_space<vmem>>
        %dma_start3A_334 = arith.constant 0 : i32
        %dma_start3A_335 = tpu.memref_slice %arg5[%add3A_314, %dma_start3A_330, %dma_start3A_334] : memref<128x2x100xi32, #tpu.memory_space<vmem>> -> memref<1x1x100xi32, #tpu.memory_space<vmem>>
        %dma_start3A_336 = tpu.memref_squeeze %dma_start3A_335 : memref<1x1x100xi32, #tpu.memory_space<vmem>> -> memref<100xi32, #tpu.memory_space<vmem>>
        %dma_start3A_337 = arith.constant 0 : i32
        %dma_start3A_338 = arith.constant 0 : i32
        %dma_start3A_339 = tpu.memref_slice %arg3[%dma_start3A_337, %dma_start3A_338] : memref<1000000x64xf32, #tpu.memory_space<hbm>> -> memref<1000000x64xf32, #tpu.memory_space<hbm>>
        tpu.enqueue_indirect_dma source(%dma_start3A_339 : memref<1000000x64xf32, #tpu.memory_space<hbm>>) target(%dma_start3A_333 : memref<100x64xf32, #tpu.memory_space<vmem>>) offsets(%dma_start3A_336 : memref<100xi32, #tpu.memory_space<vmem>>) semaphore(%arg14 : memref<!tpu.dma_semaphore, #tpu.memory_space<semaphore_mem>>)
      } else {
      }
    }
    %scan3A_95 = arith.constant 32 : i32
    "tpu.region"() ({
      %run_scoped3A = tpu.sem_alloc : memref<!tpu.dma_semaphore, #tpu.memory_space<semaphore_mem>>
      %dma_start3A_96 = arith.constant 0 : i32
      %dma_start3A_97 = tpu.memref_slice %arg4[%mul3A_2, %dma_start3A_96] : memref<4096x64xf32, #tpu.memory_space<hbm>> -> memref<128x64xf32, #tpu.memory_space<hbm>>
      %dma_start3A_98 = arith.constant 0 : i32
      %dma_start3A_99 = tpu.memref_slice %arg4[%mul3A_2, %dma_start3A_98] : memref<4096x64xf32, #tpu.memory_space<hbm>> -> memref<128x64xf32, #tpu.memory_space<hbm>>
      tpu.enqueue_dma source(%arg10 : memref<128x64xf32, #tpu.memory_space<vmem>>) target(%dma_start3A_99 : memref<128x64xf32, #tpu.memory_space<hbm>>) target_semaphore(%run_scoped3A : memref<!tpu.dma_semaphore, #tpu.memory_space<semaphore_mem>>)
      %dma_wait3A = arith.constant 0 : i32
      %dma_wait3A_100 = tpu.memref_slice %arg4[%mul3A_2, %dma_wait3A] : memref<4096x64xf32, #tpu.memory_space<hbm>> -> memref<128x64xf32, #tpu.memory_space<hbm>>
      %dma_wait3A_101 = arith.constant 0 : i32
      %dma_wait3A_102 = tpu.memref_slice %arg4[%mul3A_2, %dma_wait3A_101] : memref<4096x64xf32, #tpu.memory_space<hbm>> -> memref<128x64xf32, #tpu.memory_space<hbm>>
      tpu.wait_dma2 semaphore(%run_scoped3A : memref<!tpu.dma_semaphore, #tpu.memory_space<semaphore_mem>>) src(%arg10 : memref<128x64xf32, #tpu.memory_space<vmem>>) dst(%dma_wait3A_102 : memref<128x64xf32, #tpu.memory_space<hbm>>)
      tpu.yield
    }) : () -> ()
    return
  }
}

module attributes {stable_mosaic.version = 14 : i64} {
  func.func @body(%arg0: i32, %arg1: memref<512x64xf32, #tpu.memory_space<vmem>>, %arg2: memref<512x256xf32, #tpu.memory_space<vmem>>, %arg3: memref<64x128xf32, #tpu.memory_space<vmem>>, %arg4: memref<256x128xf32, #tpu.memory_space<vmem>>, %arg5: memref<1x128xf32, #tpu.memory_space<vmem>>, %arg6: memref<1x128xf32, #tpu.memory_space<vmem>>, %arg7: memref<1x1xf32, #tpu.memory_space<smem>>, %arg8: memref<1x512xf32, #tpu.memory_space<vmem>>) attributes {dimension_semantics = [#tpu.dimension_semantics<arbitrary>], iteration_bounds = array<i64: 80>, scalar_prefetch = 0 : i64, scratch_operands = 0 : i64, tpu.core_type = #tpu.core_type<tc>, window_params = [{transform_indices = @transform_0, window_bounds = array<i64: 512, 64>}, {transform_indices = @transform_1, window_bounds = array<i64: 512, 256>}, {pipeline_mode = #tpu.pipeline_mode<synchronous>, transform_indices = @transform_2, window_bounds = array<i64: 64, 128>}, {pipeline_mode = #tpu.pipeline_mode<synchronous>, transform_indices = @transform_3, window_bounds = array<i64: 256, 128>}, {pipeline_mode = #tpu.pipeline_mode<synchronous>, transform_indices = @transform_4, window_bounds = array<i64: 1, 128>}, {pipeline_mode = #tpu.pipeline_mode<synchronous>, transform_indices = @transform_5, window_bounds = array<i64: 1, 128>}, {transform_indices = @transform_6, window_bounds = array<i64: 1, 1>}, {transform_indices = @transform_7, window_bounds = array<i64: 1, 512>}]} {
    %get3A = arith.constant 0 : index
    %get3A_0 = arith.constant 0 : index
    %get3A_1 = vector.load %arg1[%get3A, %get3A_0] : memref<512x64xf32, #tpu.memory_space<vmem>>, vector<512x64xf32>
    %get3A_2 = arith.constant 0 : index
    %get3A_3 = arith.constant 0 : index
    %get3A_4 = vector.load %arg3[%get3A_2, %get3A_3] : memref<64x128xf32, #tpu.memory_space<vmem>>, vector<64x128xf32>
    %dot_general3A = arith.constant dense<0.000000e+00> : vector<512x128xf32>
    %dot_general3A_5 = tpu.matmul %get3A_1, %get3A_4, %dot_general3A {dimension_numbers = #tpu.dot_dimension_numbers<[1], [0], [0], [1], [0, 0, 1, 1], [], []>, transpose_lhs_hint = false} : vector<512x64xf32>, vector<64x128xf32>, vector<512x128xf32> -> vector<512x128xf32>
    %get3A_6 = arith.constant 0 : index
    %get3A_7 = arith.constant 0 : index
    %get3A_8 = vector.load %arg2[%get3A_6, %get3A_7] : memref<512x256xf32, #tpu.memory_space<vmem>>, vector<512x256xf32>
    %get3A_9 = arith.constant 0 : index
    %get3A_10 = arith.constant 0 : index
    %get3A_11 = vector.load %arg4[%get3A_9, %get3A_10] : memref<256x128xf32, #tpu.memory_space<vmem>>, vector<256x128xf32>
    %dot_general3A_12 = arith.constant dense<0.000000e+00> : vector<512x128xf32>
    %dot_general3A_13 = tpu.matmul %get3A_8, %get3A_11, %dot_general3A_12 {dimension_numbers = #tpu.dot_dimension_numbers<[1], [0], [0], [1], [0, 0, 1, 1], [], []>, transpose_lhs_hint = false} : vector<512x256xf32>, vector<256x128xf32>, vector<512x128xf32> -> vector<512x128xf32>
    %add3A = arith.addf %dot_general3A_5, %dot_general3A_13 : vector<512x128xf32>
    %get3A_14 = arith.constant 0 : index
    %get3A_15 = arith.constant 0 : index
    %get3A_16 = vector.load %arg5[%get3A_14, %get3A_15] : memref<1x128xf32, #tpu.memory_space<vmem>>, vector<1x128xf32>
    %add3A_17 = vector.broadcast %get3A_16 : vector<1x128xf32> to vector<512x128xf32>
    %add3A_18 = arith.addf %add3A, %add3A_17 : vector<512x128xf32>
    %tanh3A = math.tanh %add3A_18 : vector<512x128xf32>
    %get3A_19 = arith.constant 0 : index
    %get3A_20 = arith.constant 0 : index
    %get3A_21 = vector.load %arg6[%get3A_19, %get3A_20] : memref<1x128xf32, #tpu.memory_space<vmem>>, vector<1x128xf32>
    %mul3A = vector.broadcast %get3A_21 : vector<1x128xf32> to vector<512x128xf32>
    %mul3A_22 = arith.mulf %tanh3A, %mul3A : vector<512x128xf32>
    %reduce_sum3A = arith.constant dense<0.000000e+00> : vector<512xf32>
    %reduce_sum3A_23 = vector.multi_reduction <add>, %mul3A_22, %reduce_sum3A [1] : vector<512x128xf32> to vector<512xf32>
    %get3A_24 = arith.constant 0 : index
    %get3A_25 = arith.constant 0 : index
    %get3A_26 = memref.load %arg7[%get3A_24, %get3A_25] : memref<1x1xf32, #tpu.memory_space<smem>>
    %add3A_27 = vector.broadcast %get3A_26 : f32 to vector<512xf32>
    %add3A_28 = arith.addf %reduce_sum3A_23, %add3A_27 : vector<512xf32>
    %reshape3A = vector.shape_cast %add3A_28 : vector<512xf32> to vector<1x512xf32>
    %swap3A = arith.constant 0 : index
    %swap3A_29 = arith.constant 0 : index
    %swap3A_30 = vector.load %arg8[%swap3A, %swap3A_29] : memref<1x512xf32, #tpu.memory_space<vmem>>, vector<1x512xf32>
    tpu.vector_store %arg8[%swap3A, %swap3A_29], %reshape3A {strides = array<i32>} : memref<1x512xf32, #tpu.memory_space<vmem>>, vector<1x512xf32>,
    return
  }
  func.func @transform_0(%arg0: i32) -> (i32, i32) {
    %jit3A = arith.constant 8 : i32
    %eq3A = arith.constant 0 : i32
    %eq3A_0 = arith.cmpi eq, %jit3A, %eq3A : i32
    %jit3A_1 = arith.constant 1 : i32
    %select_n3A = arith.select %eq3A_0, %jit3A_1, %jit3A : i32
    %rem3A = arith.remsi %arg0, %select_n3A : i32
    %ne3A = arith.constant 0 : i32
    %ne3A_2 = arith.cmpi ne, %rem3A, %ne3A : i32
    %lt3A = arith.constant 0 : i32
    %lt3A_3 = arith.cmpi slt, %rem3A, %lt3A : i32
    %lt3A_4 = arith.constant 0 : i32
    %lt3A_5 = arith.cmpi slt, %select_n3A, %lt3A_4 : i32
    %ne3A_6 = arith.xori %lt3A_3, %lt3A_5 : i1
    %and3A = arith.andi %ne3A_6, %ne3A_2 : i1
    %add3A = arith.addi %rem3A, %select_n3A : i32
    %select_n3A_7 = arith.select %and3A, %add3A, %rem3A : i32
    %c0_i32 = arith.constant 0 : i32
    %c0_i32_8 = arith.constant 0 : i32
    return %select_n3A_7, %c0_i32 : i32, i32
  }
  func.func @transform_1(%arg0: i32) -> (i32, i32) {
    %c0_i32 = arith.constant 0 : i32
    %c0_i32_0 = arith.constant 0 : i32
    return %arg0, %c0_i32 : i32, i32
  }
  func.func @transform_2(%arg0: i32) -> (i32, i32) {
    %c0_i32 = arith.constant 0 : i32
    %c0_i32_0 = arith.constant 0 : i32
    %c0_i32_1 = arith.constant 0 : i32
    return %c0_i32, %c0_i32_0 : i32, i32
  }
  func.func @transform_3(%arg0: i32) -> (i32, i32) {
    %c0_i32 = arith.constant 0 : i32
    %c0_i32_0 = arith.constant 0 : i32
    %c0_i32_1 = arith.constant 0 : i32
    return %c0_i32, %c0_i32_0 : i32, i32
  }
  func.func @transform_4(%arg0: i32) -> (i32, i32) {
    %c0_i32 = arith.constant 0 : i32
    %c0_i32_0 = arith.constant 0 : i32
    %c0_i32_1 = arith.constant 0 : i32
    return %c0_i32, %c0_i32_0 : i32, i32
  }
  func.func @transform_5(%arg0: i32) -> (i32, i32) {
    %c0_i32 = arith.constant 0 : i32
    %c0_i32_0 = arith.constant 0 : i32
    %c0_i32_1 = arith.constant 0 : i32
    return %c0_i32, %c0_i32_0 : i32, i32
  }
  func.func @transform_6(%arg0: i32) -> (i32, i32) {
    %c0_i32 = arith.constant 0 : i32
    %c0_i32_0 = arith.constant 0 : i32
    %c0_i32_1 = arith.constant 0 : i32
    return %c0_i32, %c0_i32_0 : i32, i32
  }
  func.func @transform_7(%arg0: i32) -> (i32, i32) {
    %c0_i32 = arith.constant 0 : i32
    %c0_i32_0 = arith.constant 0 : i32
    return %c0_i32, %arg0 : i32, i32
  }
}

</mosaic_0001>

<sc_bundles>
// kernel: kernel.4.cloned.1.call-start
scs
__scs_entry_jumppad:
0x0: {  	(pc) =	sbr.rel $0x88, $3  }
0x1: {  	(tag) =	ssettag $0x0;
	lr =	simm.s32 $0x1  }
0x2: {  	[smem:$0x3F9A] =	sst lr;
	_ =	strace $0xD0000000  }
0x3: {  	_ = 	snop  }
0x4: {  	_ = 	snop  }
0x5: {  	_ = 	snop  }
0x6: {  	_ = 	snop  }
0x7: {  	_ = 	snop  }
__scs_overlays_trampoline_lowered:
0x8: {  	[smem:$0x3FA9] =	sst s0  }
0x9: {  	[smem:$0x3FAA] =	sst s1  }
0xa: {  	[smem:$0x3FAB] =	sst s2  }
0xb: {  	[smem:$0x3FAC] =	sst s3  }
0xc: {  	[smem:$0x3FAD] =	sst s4  }
0xd: {  	[smem:$0x3FAE] =	sst s5  }
0xe: {  	[smem:$0x3FAF] =	sst s6  }
0xf: {  	[smem:$0x3FB0] =	sst s7  }
0x10: {  	[smem:$0x3FB1] =	sst s8  }
0x11: {  	[smem:$0x3FB2] =	sst s9;
	s0 =	simm.s32 @!p0 $0x0  }
0x12: {  	s1 =	sld [smem:$0x3F98];
	s0 =	simm.s32 @p0 $0x1  }
0x13: {  	[smem:$0x3FB3] =	sst s0;
	s0 =	simm.s32 @!p1 $0x0  }
0x14: {  	s2 =	sld [smem:$0x3F97];
	s0 =	simm.s32 @p1 $0x1  }
0x15: {  	[smem:$0x3FB4] =	sst s0;
	s0 =	simm.s32 @!p2 $0x0  }
0x16: {  	s3 =	sld [smem:$0x3FDB];
	s0 =	simm.s32 @p2 $0x1  }
0x17: {  	s4 =	simm.s32 $0x1BF5;
	[smem:$0x3FB6] =	sst s0  }
0x18: {  	s0 =	sld [smem:$0x3F99];
	_ =	swait.ge [sflag:s4], $0x0  }
0x19: {  	s7 =	sld [smem:$0x3F9A]  }
0x1a: {  	s8 =	sadd.s32 $0xFFFFE003, lr  }
0x1b: {  	s9 =	sadd.s32 $0xFFFFFEF7, lr;
	s5 =	simm.s32 $0xFFFFFFFF;
	p2 =	slt.u32 s8, $0xFFFFF086  }
0x1c: {  	p1 =	slt.u32 s9, $0xF7A;
	s5 =	simm.s32 @!p2 $0x0  }
0x1d: {  	s5 =	simm.s32 @p1 $0x1;
	p0 =	seq.s32 s7, s2  }
0x1e: {  	s7 =	smul.u32 @!p0 $0xF7A, s2;
	p2 =	seq.s32 @!p0 s5, $0x0  }
0x1f: {  	s9 =	smul.u32 $0xF7A, s1;
	s8 =	simm.s32 @!p0 $0x1BF5;
	p2 =	por !p2, p0  }
0x20: {  	[sflag:s8] =	ssyncset.s32 @!p0 $0xFFFFF086;
	s6 =	sadd.s32 @!p0 s3, s7;
	s7 =	simm.s32 @!p0 $0x108  }
0x21: {  	s3 =	sadd.s32 s3, s9;
	s6 =	sadd.s32 @!p0 $0x88, s6;
	s7 =	simm.s32 @p2 $0x1082  }
0x22: {  	[simem:s7], [sflag:s8] =	dma.local @!p0 [hbm:s6], $0xF7A  }
0x23: {  	s9 =	sor.u32 $0xD0000000, s2;
	s6 =	simm.s32 $0x108;
	_ =	swait.ge @!p0 [sflag:s8], $0x0  }
0x24: {  	s3 =	sadd.s32 $0x88, s3;
	s6 =	simm.s32 @!p1 $0x1082;
	[sflag:s4] =	ssyncset.s32 $0xFFFFF086  }
0x25: {  	[simem:s6], [sflag:s4] =	dma.local [hbm:s3], $0xF7A  }
0x26: {  	[smem:$0x3F9A] =	sst s1;
	(tag) =	ssettag s2;
	_ =	strace s9  }
0x27: {  	s1 =	sld [smem:$0x3FAA]  }
0x28: {  	s2 =	sld [smem:$0x3FAB]  }
0x29: {  	s4 =	sld [smem:$0x3FAD]  }
0x2a: {  	p0 =	seq.s32 s5, $0x0;
	s5 =	sld [smem:$0x3FAE]  }
0x2b: {  	s6 =	sld [smem:$0x3FAF]  }
0x2c: {  	s7 =	sld [smem:$0x3FB0]  }
0x2d: {  	s3 =	simm.s32 $0x108;
	s8 =	sld [smem:$0x3FB1]  }
0x2e: {  	s3 =	simm.s32 @!p0 $0x1082;
	s9 =	sld [smem:$0x3FB2]  }
0x2f: {  	lr =	sadd.s32 s0, s3;
	s0 =	sld [smem:$0x3FA9]  }
0x30: {  	s3 =	sld [smem:$0x3FAC]  }
0x31: {  	[smem:$0x3FB5] =	sst s10  }
0x32: {  	s10 =	sld [smem:$0x3FB3];
	_ =	sdelay $0x3  }
0x33: {  	p0 =	seq.s32 s10, $0x1;
	s10 =	sld [smem:$0x3FB5];
	_ =	sdelay $0x3  }
0x34: {  	[smem:$0x3FB5] =	sst s10  }
0x35: {  	s10 =	sld [smem:$0x3FB4];
	_ =	sdelay $0x3  }
0x36: {  	p1 =	seq.s32 s10, $0x1;
	s10 =	sld [smem:$0x3FB5];
	_ =	sdelay $0x3  }
0x37: {  	[smem:$0x3FB5] =	sst s10  }
0x38: {  	s10 =	sld [smem:$0x3FB6]  }
0x39: {  	_ = 	snop;
	(pc) =	sbr.ind lr, $3  }
0x3a: {  	_ = 	snop  }
0x3b: {  	_ = 	snop  }
0x3c: {  	p2 =	seq.s32 s10, $0x1;
	s10 =	sld [smem:$0x3FB5]  }
0x3d: {  	_ =	shalt  }
0x3e: {  	_ =	shalt  }
0x3f: {  	_ =	shalt  }
0x40: {  	_ =	shalt  }
0x41: {  	_ =	shalt  }
0x42: {  	_ =	shalt  }
0x43: {  	_ =	shalt  }
0x44: {  	_ =	shalt  }
0x45: {  	_ =	shalt  }
0x46: {  	_ =	shalt  }
0x47: {  	_ =	shalt  }
0x48: {  	_ =	shalt  }
0x49: {  	_ =	shalt  }
0x4a: {  	_ =	shalt  }
0x4b: {  	_ =	shalt  }
0x4c: {  	_ =	shalt  }
0x4d: {  	_ =	shalt  }
0x4e: {  	_ =	shalt  }
0x4f: {  	_ =	shalt  }
0x50: {  	_ =	shalt  }
0x51: {  	_ =	shalt  }
0x52: {  	_ =	shalt  }
0x53: {  	_ =	shalt  }
0x54: {  	_ =	shalt  }
0x55: {  	_ =	shalt  }
0x56: {  	_ =	shalt  }
0x57: {  	_ =	shalt  }
0x58: {  	_ =	shalt  }
0x59: {  	_ =	shalt  }
0x5a: {  	_ =	shalt  }
0x5b: {  	_ =	shalt  }
0x5c: {  	_ =	shalt  }
0x5d: {  	_ =	shalt  }
0x5e: {  	_ =	shalt  }
0x5f: {  	_ =	shalt  }
0x60: {  	_ =	shalt  }
0x61: {  	_ =	shalt  }
0x62: {  	_ =	shalt  }
0x63: {  	_ =	shalt  }
0x64: {  	_ =	shalt  }
0x65: {  	_ =	shalt  }
0x66: {  	_ =	shalt  }
0x67: {  	_ =	shalt  }
0x68: {  	_ =	shalt  }
0x69: {  	_ =	shalt  }
0x6a: {  	_ =	shalt  }
0x6b: {  	_ =	shalt  }
0x6c: {  	_ =	shalt  }
0x6d: {  	_ =	shalt  }
0x6e: {  	_ =	shalt  }
0x6f: {  	_ =	shalt  }
0x70: {  	_ =	shalt  }
0x71: {  	_ =	shalt  }
0x72: {  	_ =	shalt  }
0x73: {  	_ =	shalt  }
0x74: {  	_ =	shalt  }
0x75: {  	_ =	shalt  }
0x76: {  	_ =	shalt  }
0x77: {  	_ =	shalt  }
0x78: {  	_ =	shalt  }
0x79: {  	_ =	shalt  }
0x7a: {  	_ =	shalt  }
0x7b: {  	_ =	shalt  }
0x7c: {  	_ =	shalt  }
0x7d: {  	_ =	shalt  }
0x7e: {  	_ =	shalt  }
0x7f: {  	_ =	shalt  }
0x80: {  	_ =	shalt  }
0x81: {  	_ =	shalt  }
0x82: {  	_ =	shalt  }
0x83: {  	_ =	shalt  }
0x84: {  	_ =	shalt  }
0x85: {  	_ =	shalt  }
0x86: {  	_ =	shalt  }
0x87: {  	_ =	shalt  }
.Lfunc_end0:
.L_simem_size_0:
called_computation_lowered:
.L_overlay_start_0:
0x88: {  	s2 =	sld [smem:$0x3FD9]  }
0x89: {  	s3 =	sld [smem:$0x3FFE];
	_ =	sdelay $0x1  }
0x8a: {  	s1 =	srdreg.scid  }
0x8b: {  	s0 =	sand.u32 $0x1, s1  }
0x8c: {  	s16 =	sshll.u32 s0, $0xA;
	s2 =	sadd.s32 s3, s2  }
0x8d: {  	s2 =	sadd.s32 s2, s16  }
0x8e: {  	[smem:$0x3FC1] =	sst s2  }
0x8f: {  	_ = 	snop  }
0x90: {  	(tm) =	ssettm $0x1  }
0x91: {  	s17 =	sld [smem:$0x3FFB];
	_ =	sdelay $0x3  }
0x92: {  	_ =	strace s17  }
0x93: {  	s2 =	sld [smem:$0x3FFC];
	_ =	sdelay $0x3  }
0x94: {  	_ =	strace s2  }
0x95: {  	s2 =	sld [smem:$0x3FFD];
	_ =	sdelay $0x3  }
0x96: {  	_ =	strace s2  }
0x97: {  	_ =	strace $0x8FFFFFFF  }
0x98: {  	s18 =	sld [smem:$0x3FDB];
	_ =	sdelay $0x1  }
0x99: {  	s19 =	simm.s32 $_scs_section_size  }
0x9a: {  	s4 =	simm.s32 $_size__tile_overlayer_lowered;
	s5 =	simm.s32 $_tile_overlayer_lowered  }
0x9b: {  	s22 =	simm.s32 $0x1BFF;
	s21 =	sshll.u32 s5, $0x1;
	s2 =	sadd.s32 s19, s18  }
0x9c: {  	s6 =	simm.s32 $0x0;
	s20 =	sshll.u32 s4, $0x1;
	s4 =	sadd.s32 s21, s2  }
0x9d: {  	[timem:s6], [sflag:s22] =	dma.local [hbm:s4], s20  }
0x9e: {  	_ =	swait.ge [sflag:s22], s20  }
0x9f: {  	s3 =	ssub.s32 $0x0, s20;
	[sflag:s22] =	ssyncset.done $0x0  }
0xa0: {  	[sflag:s22] =	ssyncadd.s32 s3;
	_ =	sdelay $0x1  }
0xa1: {  	s23 =	simm.s32 $0x1B8B  }
0xa2: {  	_ =	swait.ge [sflag:s23], $0x1  }
0xa3: {  	[sflag:s23] =	ssyncset.done $0x0  }
0xa4: {  	s25 =	simm.s32 $0x1B8E;
	s24 =	sld [smem:$0x3FFE];
	[sflag:s23] =	ssyncadd.s32 $0xFFFFFFFF  }
0xa5: {  	s26 =	simm.s32 $execute0_lowered;
	[smem:$0x3FD2] =	sst s25  }
0xa6: {  	s4 =	sshll.u32 s26, $0x1;
	_ =	strace $0x80000046;
	[dreg:$0x1] =	wrdreg $0xFFFFFFFF  }
0xa7: {  	s28 =	simm.s32 $_size_execute0_lowered;
	s2 =	sadd.s32 s2, s4;
	[dreg:$0x0] =	wrdreg $0x0  }
0xa8: {  	s4 =	sshll.u32 s28, $0x1;
	[dreg:$0x2] =	wrdreg s2  }
0xa9: {  	[dreg:$0x3] =	wrdreg s4  }
0xaa: {  	[dreg:$0x4] =	wrdreg $0xC0  }
0xab: {  	_ =	task [dreg:s6], $0x5FFFF  }
0xac: {  	[dreg:$0x1] =	wrdreg $0xFFFFFFFF  }
0xad: {  	[dreg:$0x0] =	wrdreg $0x60  }
0xae: {  	[dreg:$0x2] =	wrdreg s24  }
0xaf: {  	[dreg:$0x3] =	wrdreg $0x9  }
0xb0: {  	_ =	task.clear_ibuf [dreg:s6], $0x4FFFF;
	_ =	strace $0x90000046  }
0xb1: {  	s29 =	simm.s32 $0x9;
	_ =	strace $0x80000048  }
0xb2: {  	_ =	swait.ge [sflag:s29], $0x1  }
0xb3: {  	[sflag:s29] =	ssyncadd.s32 $0xFFFFFFFF  }
0xb4: {  	_ =	strace $0x90000048  }
0xb5: {  	_ =	sfence  }
0xb6: {  	s30 =	sld [smem:$0x0];
	_ =	sdelay $0x2  }
0xb7: {  	s31 =	sshll.u32 s1, $0xD;
	s1 =	sshrl.u32 s1, $0x2  }
0xb8: {  	s3 =	sand.u32 $0x4000, s31;
	s1 =	sadd.s32 s1, s30  }
0xb9: {  	s0 =	sor.u32 s3, s0;
	s1 =	sshll.u32 s1, $0x11  }
0xba: {  	s0 =	sor.u32 s1, s0  }
0xbb: {  	s0 =	sadd.s32 $0x8F2B, s0  }
0xbc: {  	[sflag:s0] =	ssyncadd.remote.s32 $0x1  }
0xbd: {  	_ =	sfence.sel $0xFFFF  }
0xbe: {  	[dreg:$0x0] =	wrdreg $0xFFFFFFFF;
	(pc) =	sbr.abs _section_cstart, $3  }
0xbf: {  	[dreg:$0x1] =	wrdreg $0xFFFFFFFF  }
0xc0: {  	_ =	task.clear_ibuf [dreg:s6], $0x2FFFF;
	_ =	strace $0x9FFFFFFF  }
0xc1: {  	(tm) =	ssettm $0x7FFFFFFF  }
tec
execute0_lowered:
.L_overlay_start_1:
0x0: {  	(tag) =	ssettag $0x1  }
0x1: {  	s0 =	srdreg.scid  }
0x2: {  	s2 =	stileid.u32;
	s1 =	rddreg [dreg:$0x0]  }
0x3: {  	s7 =	simm.s32 $0x5;
	s8 =	simm.s32 $0x64;
	s12 =	simm.s32 $0xD0  }
0x4: {  	s13 =	simm.s32 $0x9A00;
	s14 =	simm.s32 $0x138;
	s15 =	simm.s32 $0xB300  }
0x5: {  	s16 =	simm.s32 $0x1A0;
	s17 =	simm.s32 $0xCC00;
	s18 =	simm.s32 $0x208  }
0x6: {  	s19 =	simm.s32 $0xE500;
	s20 =	simm.s32 $0x270;
	s21 =	simm.s32 $0xFE00  }
0x7: {  	s22 =	simm.s32 $0x2D8;
	s23 =	simm.s32 $0x11700;
	s24 =	simm.s32 $0x1  }
0x8: {  	s25 =	simm.s32 $0x2;
	s26 =	simm.s32 $0x3;
	s28 =	simm.s32 $0x4  }
0x9: {  	s29 =	simm.s32 $0x13000;
	s30 =	simm.s32 $0x0;
	s0 =	sand.u32 $0x1, s0  }
0xa: {  	s3 =	sshll.u32 s2, $0x8;
	s2 =	simm.s32 $0x0;
	s4 =	sshll.u32 s0, $0x7  }
.Ltmp0:
0xb: {  	[smem:$0x7FF] =	sst s2;
	s3 =	sor.u32 s4, s3;
	(pc) =	sbr.rel .LBB2_1-.Ltmp0, $4  }
0xc: {  	s0 =	ssub.s32 $0x2, s0;
	_ =	strace $0x80000047;
	s4 =	smul.u32 $0x1A, s3  }
0xd: {  	s31 =	sshrl.u32 s0, $0x1;
	s5 =	sshll.u32 s3, $0x3;
	s3 =	sadd.s32 $0xF43000, s1  }
0xe: {  	s0 =	ssub.s32 s0, s31;
	s4 =	sadd.s32 s4, s1;
	s1 =	sadd.s32 s5, s1  }
0xf: {  	s6 =	smax.u32 s0, $0x1;
	s4 =	sadd.s32 $0xC00, s4;
	s5 =	sadd.s32 $0x1AC00, s1  }
.LBB2_12:
0x10: {  	s30 =	sadd.s32 $0x1, s30  }
0x11: {  	p0 =	sne.s32 s30, s6  }
.Ltmp1:
0x12: {  	_ = 	snop;
	(pc) =	sbr.rel @!p0 .LBB2_13-.Ltmp1, $4  }
0x13: {  	[hbm4b:s5+s2] =	stream.linear.scatter [tilespmem:s29], [sflag:$0x5], $0x2000, $0x38;
	[tilespmem:$0x15000] =	vst v63  }
0x14: {  	_ =	swait.ge [sflag:s7], $0x2000  }
0x15: {  	[sflag:s7] =	ssyncset.done $0x0  }
0x16: {  	[sflag:s7] =	ssyncadd.s32 $0xFFFFE000  }
.LBB2_1:
0x17: {  	[tilespmem:s2], [sflag:$0x5] =	stream.linear.gather [hbm4b:s4+s2], $0x6800, $0x38;
	[tilespmem:$0x15000] =	vst v63  }
0x18: {  	_ =	swait.ge [sflag:s7], $0x6800  }
0x19: {  	[sflag:s7] =	ssyncset.done $0x0  }
0x1a: {  	s0 =	simm.s32 $0x6800;
	[sflag:s7] =	ssyncadd.s32 $0xFFFF9800  }
0x1b: {  	[tilespmem:s0], [sflag:$0x1] =	stream.indirect.gather [hbm4b:s3+s8], $0x40, s2, s8, $0xb8;
	[tilespmem:$0x15000] =	vst v63  }
0x1c: {  	s11 =	simm.s32 $0x68;
	s1 =	simm.s32 $0x8100  }
0x1d: {  	[tilespmem:s1], [sflag:$0x1] =	stream.indirect.gather [hbm4b:s3+s8], $0x40, s11, s8, $0xb8;
	[tilespmem:$0x15000] =	vst v63  }
0x1e: {  	_ = 	snop  }
0x1f: {  	[tilespmem:s13], [sflag:$0x2] =	stream.indirect.gather [hbm4b:s3+s8], $0x40, s12, s8, $0xb8;
	[tilespmem:$0x15000] =	vst v63  }
0x20: {  	_ = 	snop  }
0x21: {  	[tilespmem:s15], [sflag:$0x2] =	stream.indirect.gather [hbm4b:s3+s8], $0x40, s14, s8, $0xb8;
	[tilespmem:$0x15000] =	vst v63  }
0x22: {  	_ = 	snop  }
0x23: {  	[tilespmem:s17], [sflag:$0x3] =	stream.indirect.gather [hbm4b:s3+s8], $0x40, s16, s8, $0xb8;
	[tilespmem:$0x15000] =	vst v63  }
0x24: {  	_ = 	snop  }
0x25: {  	[tilespmem:s19], [sflag:$0x3] =	stream.indirect.gather [hbm4b:s3+s8], $0x40, s18, s8, $0xb8;
	[tilespmem:$0x15000] =	vst v63  }
0x26: {  	_ = 	snop  }
0x27: {  	[tilespmem:s21], [sflag:$0x4] =	stream.indirect.gather [hbm4b:s3+s8], $0x40, s20, s8, $0xb8;
	[tilespmem:$0x15000] =	vst v63  }
0x28: {  	s31 =	simm.s32 $0x0  }
0x29: {  	[tilespmem:s23], [sflag:$0x4] =	stream.indirect.gather [hbm4b:s3+s8], $0x40, s22, s8, $0xb8;
	[tilespmem:$0x15000] =	vst v63  }
.LBB2_2:
0x2a: {  	_ =	swait.ge [sflag:s24], $0x1900  }
0x2b: {  	[sflag:s24] =	ssyncset.done $0x0  }
0x2c: {  	[sflag:s24] =	ssyncadd.s32 $0xFFFFE700  }
0x2d: {  	_ =	swait.ge [sflag:s24], $0x1900  }
0x2e: {  	[sflag:s24] =	ssyncset.done $0x0  }
0x2f: {  	s1 =	simm.s32 $0x0;
	[sflag:s24] =	ssyncadd.s32 $0xFFFFE700  }
0x30: {  	v0 =	vld [tilespmem:s1+$0x6830]  }
0x31: {  	v1 =	vld [tilespmem:s1+$0x6870]  }
0x32: {  	v2 =	vld [tilespmem:s1+$0x68B0]  }
0x33: {  	v3 =	vld [tilespmem:s1+$0x68F0]  }
0x34: {  	v4 =	vld [tilespmem:s1+$0x6930]  }
0x35: {  	v5 =	vld [tilespmem:s1+$0x6970]  }
0x36: {  	v6 =	vld [tilespmem:s1+$0x69B0]  }
0x37: {  	v7 =	vld [tilespmem:s1+$0x69F0]  }
0x38: {  	v8 =	vld [tilespmem:s1+$0x6800]  }
0x39: {  	v9 =	vld [tilespmem:s1+$0x6840]  }
0x3a: {  	v10 =	vld [tilespmem:s1+$0x6880]  }
0x3b: {  	v11 =	vld [tilespmem:s1+$0x68C0]  }
0x3c: {  	v12 =	vld [tilespmem:s1+$0x6900]  }
0x3d: {  	v13 =	vld [tilespmem:s1+$0x6940]  }
0x3e: {  	v14 =	vld [tilespmem:s1+$0x6980]  }
0x3f: {  	v15 =	vld [tilespmem:s1+$0x69C0]  }
0x40: {  	v16 =	vld [tilespmem:s1+$0x6810]  }
0x41: {  	v17 =	vld [tilespmem:s1+$0x6850]  }
0x42: {  	v18 =	vld [tilespmem:s1+$0x6890]  }
0x43: {  	v19 =	vld [tilespmem:s1+$0x68D0]  }
0x44: {  	v20 =	vld [tilespmem:s1+$0x6910]  }
0x45: {  	v21 =	vld [tilespmem:s1+$0x6950]  }
0x46: {  	v22 =	vld [tilespmem:s1+$0x6990]  }
0x47: {  	v23 =	vld [tilespmem:s1+$0x68A0];
	v0 =	vadd.f32 v1, v0  }
0x48: {  	v1 =	vadd.f32 v3, v2;
	v2 =	vld [tilespmem:s1+$0x69D0];
	v3 =	vadd.f32 v5, v4  }
0x49: {  	v4 =	vadd.f32 v7, v6;
	v6 =	vld [tilespmem:s1+$0x6820];
	v5 =	vadd.f32 v13, v12  }
0x4a: {  	v7 =	vld [tilespmem:s1+$0x6860];
	v12 =	vadd.f32 v19, v18;
	v0 =	vadd.f32 v1, v0  }
0x4b: {  	v13 =	vld [tilespmem:s1+$0x6960];
	v1 =	vadd.f32 v4, v3;
	v3 =	vadd.f32 v9, v8  }
0x4c: {  	v4 =	vadd.f32 v11, v10;
	v8 =	vld [tilespmem:s1+$0x68E0];
	v9 =	vadd.f32 v15, v14  }
0x4d: {  	v10 =	vld [tilespmem:s1+$0x6920];
	v11 =	vadd.f32 v17, v16;
	v14 =	vadd.f32 v21, v20  }
0x4e: {  	v15 =	vld [tilespmem:s1+$0x69A0];
	v3 =	vadd.f32 v4, v3;
	v5 =	vadd.f32 v9, v5  }
0x4f: {  	s0 =	simm.s32 $0x200;
	v9 =	vld [tilespmem:s1+$0x69E0];
	v11 =	vadd.f32 v12, v11;
	v2 =	vadd.f32 v2, v22  }
0x50: {  	v4 =	vld [tilespmem:s0+$0x6830];
	v0 =	vadd.f32 v1, v0;
	v12 =	vadd.f32 v7, v6  }
0x51: {  	v6 =	vld [tilespmem:s0+$0x68B0];
	v1 =	vadd.f32 v5, v3;
	v3 =	vimm.f32 $0.0e+00;
	v2 =	vadd.f32 v2, v14  }
0x52: {  	v7 =	vld [tilespmem:s0+$0x6930];
	v0 =	vadd.f32 v0, v3  }
0x53: {  	v5 =	vld [tilespmem:s0+$0x6870];
	v14 =	vadd.f32 v2, v11;
	v11 =	vadd.f32 v8, v23  }
0x54: {  	v13 =	vadd.f32 v13, v10;
	v10 =	vld [tilespmem:s0+$0x69B0];
	v15 =	vadd.f32 v9, v15  }
0x55: {  	v8 =	vld [tilespmem:s0+$0x68F0];
	v2 =	vadd.f32 v1, v3;
	v11 =	vadd.f32 v11, v12  }
0x56: {  	s1 =	simm.s32 $0x1000;
	v9 =	vld [tilespmem:s0+$0x6970];
	v1 =	vadd.f32 v14, v3;
	v12 =	vadd.f32 v15, v13  }
.LBB2_3:
0x57: {  	p0 =	sne.s32 s1, $0xC000;
	v13 =	vld [tilespmem:s0+$0x69F0]  }
0x58: {  	v14 =	vld [tilespmem:s0+$0x6800];
	v11 =	vadd.f32 v12, v11  }
0x59: {  	v12 =	vld [tilespmem:s0+$0x6840]  }
0x5a: {  	v15 =	vld [tilespmem:s0+$0x6880];
	v3 =	vadd.f32 v11, v3  }
0x5b: {  	v4 =	vadd.f32 v5, v4;
	v5 =	vadd.f32 v8, v6;
	v11 =	vld [tilespmem:s0+$0x68C0]  }
0x5c: {  	v7 =	vadd.f32 v9, v7;
	v6 =	vld [tilespmem:s0+$0x6900];
	v8 =	vadd.f32 v13, v10  }
0x5d: {  	v9 =	vld [tilespmem:s0+$0x6940]  }
0x5e: {  	v4 =	vadd.f32 v5, v4;
	v10 =	vld [tilespmem:s0+$0x6980];
	v5 =	vadd.f32 v8, v7  }
0x5f: {  	v8 =	vadd.f32 v12, v14;
	v7 =	vld [tilespmem:s0+$0x69C0]  }
0x60: {  	v11 =	vadd.f32 v11, v15;
	v12 =	vld [tilespmem:s0+$0x6810];
	v4 =	vadd.f32 v5, v4  }
0x61: {  	v5 =	vld [tilespmem:s0+$0x6850]  }
0x62: {  	v6 =	vadd.f32 v9, v6;
	v9 =	vld [tilespmem:s0+$0x6890];
	v0 =	vadd.f32 v4, v0  }
0x63: {  	v4 =	vadd.f32 v11, v8;
	v8 =	vld [tilespmem:s0+$0x68D0]  }
0x64: {  	v7 =	vadd.f32 v7, v10;
	v10 =	vld [tilespmem:s0+$0x6910]  }
0x65: {  	v11 =	vld [tilespmem:s0+$0x6950]  }
0x66: {  	v6 =	vadd.f32 v7, v6;
	v7 =	vld [tilespmem:s0+$0x6990];
	v5 =	vadd.f32 v5, v12  }
0x67: {  	v12 =	vld [tilespmem:s0+$0x69D0]  }
0x68: {  	v4 =	vadd.f32 v6, v4;
	v6 =	vadd.f32 v8, v9;
	v8 =	vld [tilespmem:s0+$0x6820]  }
0x69: {  	v9 =	vld [tilespmem:s0+$0x6860]  }
0x6a: {  	v10 =	vadd.f32 v11, v10;
	v5 =	vadd.f32 v6, v5;
	v6 =	vld [tilespmem:s0+$0x68A0]  }
0x6b: {  	v2 =	vadd.f32 v4, v2;
	v11 =	vld [tilespmem:s0+$0x68E0]  }
0x6c: {  	v4 =	vadd.f32 v12, v7;
	v7 =	vld [tilespmem:s0+$0x6920]  }
0x6d: {  	v12 =	vld [tilespmem:s0+$0x6960]  }
0x6e: {  	v10 =	vadd.f32 v4, v10;
	v13 =	vld [tilespmem:s0+$0x69A0];
	v8 =	vadd.f32 v9, v8  }
0x6f: {  	v9 =	vld [tilespmem:s0+$0x69E0];
	s0 =	sshra.s32 s1, $0x2  }
0x70: {  	v4 =	vld [tilespmem:s0+$0x6830];
	v10 =	vadd.f32 v10, v5;
	v11 =	vadd.f32 v11, v6  }
0x71: {  	v5 =	vld [tilespmem:s0+$0x6870]  }
.Ltmp2:
0x72: {  	v6 =	vld [tilespmem:s0+$0x68B0];
	v12 =	vadd.f32 v12, v7;
	v11 =	vadd.f32 v11, v8;
	(pc) =	sbr.rel @p0 .LBB2_3-.Ltmp2, $4  }
0x73: {  	v1 =	vadd.f32 v10, v1;
	v8 =	vld [tilespmem:s0+$0x68F0]  }
0x74: {  	v7 =	vld [tilespmem:s0+$0x6930];
	v13 =	vadd.f32 v9, v13  }
0x75: {  	v9 =	vld [tilespmem:s0+$0x6970]  }
0x76: {  	s1 =	sadd.s32 $0x800, s1;
	v10 =	vld [tilespmem:s0+$0x69B0];
	v12 =	vadd.f32 v13, v12  }
0x77: {  	v13 =	vld [tilespmem:s0+$0x69F0]  }
0x78: {  	v14 =	vld [tilespmem:s0+$0x6800]  }
0x79: {  	v15 =	vld [tilespmem:s0+$0x6840]  }
0x7a: {  	v16 =	vld [tilespmem:s0+$0x6880]  }
0x7b: {  	v17 =	vld [tilespmem:s0+$0x68C0]  }
0x7c: {  	v18 =	vld [tilespmem:s0+$0x6900]  }
0x7d: {  	v19 =	vld [tilespmem:s0+$0x6940]  }
0x7e: {  	v20 =	vld [tilespmem:s0+$0x6980]  }
0x7f: {  	v21 =	vld [tilespmem:s0+$0x69C0]  }
0x80: {  	v22 =	vld [tilespmem:s0+$0x6810]  }
0x81: {  	v23 =	vld [tilespmem:s0+$0x6850]  }
0x82: {  	v24 =	vld [tilespmem:s0+$0x6890]  }
0x83: {  	v25 =	vld [tilespmem:s0+$0x68D0]  }
0x84: {  	v26 =	vld [tilespmem:s0+$0x6910]  }
0x85: {  	v27 =	vld [tilespmem:s0+$0x6950]  }
0x86: {  	v28 =	vld [tilespmem:s0+$0x6990]  }
0x87: {  	v29 =	vld [tilespmem:s0+$0x69D0]  }
0x88: {  	v30 =	vld [tilespmem:s0+$0x6860];
	v11 =	vadd.f32 v12, v11  }
0x89: {  	v4 =	vadd.f32 v5, v4;
	v53 =	vld [tilespmem:s0+$0x6960];
	v5 =	vadd.f32 v8, v6  }
0x8a: {  	v12 =	vld [tilespmem:s0+$0x6820];
	v3 =	vadd.f32 v11, v3  }
0x8b: {  	v6 =	vld [tilespmem:s0+$0x68E0];
	v7 =	vadd.f32 v9, v7;
	v4 =	vadd.f32 v5, v4  }
0x8c: {  	v11 =	vld [tilespmem:s0+$0x68A0];
	v8 =	vadd.f32 v15, v14;
	v14 =	vadd.f32 v17, v16  }
0x8d: {  	v15 =	vld [tilespmem:s0+$0x6920];
	v51 =	vadd.f32 v19, v18;
	v52 =	vadd.f32 v21, v20  }
0x8e: {  	v9 =	vadd.f32 v13, v10;
	v10 =	vld [tilespmem:s0+$0x69A0];
	v5 =	vadd.f32 v23, v22  }
0x8f: {  	v54 =	vadd.f32 v27, v26;
	v8 =	vadd.f32 v14, v8;
	v14 =	vld [tilespmem:s0+$0x69E0]  }
0x90: {  	v55 =	vadd.f32 v29, v28;
	v13 =	vadd.f32 v52, v51  }
0x91: {  	v12 =	vadd.f32 v30, v12;
	v7 =	vadd.f32 v9, v7  }
0x92: {  	v6 =	vadd.f32 v6, v11;
	v8 =	vadd.f32 v13, v8  }
0x93: {  	v13 =	vadd.f32 v25, v24;
	v4 =	vadd.f32 v7, v4  }
0x94: {  	v11 =	vadd.f32 v53, v15;
	v10 =	vadd.f32 v14, v10  }
0x95: {  	v5 =	vadd.f32 v13, v5;
	v13 =	vadd.f32 v55, v54  }
0x96: {  	v6 =	vadd.f32 v6, v12;
	v10 =	vadd.f32 v10, v11  }
0x97: {  	s10 =	sshll.u32 s31, $0x8;
	v2 =	vadd.f32 v8, v2;
	v5 =	vadd.f32 v13, v5  }
0x98: {  	p0 =	seq.s32 s31, $0x1F;
	s1 =	sand.u32 $0x3FFFFF00, s10;
	v0 =	vadd.f32 v4, v0;
	v6 =	vadd.f32 v10, v6  }
0x99: {  	s0 =	smul.u32 @!p0 $0xD00, s31;
	[tilespmem:s1+$0x13000] =	vst v2;
	v1 =	vadd.f32 v5, v1  }
0x9a: {  	[tilespmem:s1+$0x13030] =	vst v0;
	v3 =	vadd.f32 v6, v3  }
0x9b: {  	s0 =	sshra.s32 @!p0 s0, $0x2;
	[tilespmem:s1+$0x13010] =	vst v1  }
0x9c: {  	s10 =	simm.s32 @!p0 $0x64;
	s11 =	simm.s32 @!p0 $0x6800;
	s9 =	sadd.s32 @!p0 $0x340, s0;
	[tilespmem:s1+$0x13020] =	vst v3  }
0x9d: {  	[tilespmem:s11], [sflag:$0x1] =	stream.indirect.gather @!p0 [hbm4b:s3+s10], $0x40, s9, s10, $0xb8;
	[tilespmem:$0x15000] =	vst v63  }
0x9e: {  	s9 =	sadd.s32 @!p0 $0x3A8, s0;
	s11 =	simm.s32 @!p0 $0x8100  }
0x9f: {  	[tilespmem:s11], [sflag:$0x1] =	stream.indirect.gather @!p0 [hbm4b:s3+s10], $0x40, s9, s10, $0xb8;
	[tilespmem:$0x15000] =	vst v63  }
0xa0: {  	_ =	swait.ge [sflag:s25], $0x1900  }
0xa1: {  	[sflag:s25] =	ssyncset.done $0x0  }
0xa2: {  	[sflag:s25] =	ssyncadd.s32 $0xFFFFE700  }
0xa3: {  	_ =	swait.ge [sflag:s25], $0x1900  }
0xa4: {  	[sflag:s25] =	ssyncset.done $0x0  }
0xa5: {  	s11 =	simm.s32 $0x0;
	[sflag:s25] =	ssyncadd.s32 $0xFFFFE700  }
0xa6: {  	v0 =	vld [tilespmem:s11+$0x9A30]  }
0xa7: {  	v1 =	vld [tilespmem:s11+$0x9A70]  }
0xa8: {  	v2 =	vld [tilespmem:s11+$0x9AB0]  }
0xa9: {  	v3 =	vld [tilespmem:s11+$0x9AF0]  }
0xaa: {  	v4 =	vld [tilespmem:s11+$0x9B30]  }
0xab: {  	v5 =	vld [tilespmem:s11+$0x9B70]  }
0xac: {  	v6 =	vld [tilespmem:s11+$0x9BB0]  }
0xad: {  	v7 =	vld [tilespmem:s11+$0x9BF0]  }
0xae: {  	v8 =	vld [tilespmem:s11+$0x9A00]  }
0xaf: {  	v9 =	vld [tilespmem:s11+$0x9A40]  }
0xb0: {  	v10 =	vld [tilespmem:s11+$0x9A80]  }
0xb1: {  	v11 =	vld [tilespmem:s11+$0x9AC0]  }
0xb2: {  	v12 =	vld [tilespmem:s11+$0x9B00]  }
0xb3: {  	v13 =	vld [tilespmem:s11+$0x9B40]  }
0xb4: {  	v14 =	vld [tilespmem:s11+$0x9B80]  }
0xb5: {  	v15 =	vld [tilespmem:s11+$0x9BC0]  }
0xb6: {  	v56 =	vld [tilespmem:s11+$0x9A10]  }
0xb7: {  	v57 =	vld [tilespmem:s11+$0x9A50]  }
0xb8: {  	v58 =	vld [tilespmem:s11+$0x9A90]  }
0xb9: {  	v59 =	vld [tilespmem:s11+$0x9AD0]  }
0xba: {  	v60 =	vld [tilespmem:s11+$0x9B10]  }
0xbb: {  	v61 =	vld [tilespmem:s11+$0x9B50]  }
0xbc: {  	v62 =	vld [tilespmem:s11+$0x9B90]  }
0xbd: {  	v63 =	vld [tilespmem:s11+$0x9AA0];
	v0 =	vadd.f32 v1, v0;
	v1 =	vadd.f32 v3, v2  }
0xbe: {  	v2 =	vld [tilespmem:s11+$0x9BD0];
	v3 =	vadd.f32 v5, v4;
	v4 =	vadd.f32 v7, v6  }
0xbf: {  	v6 =	vld [tilespmem:s11+$0x9A20]  }
0xc0: {  	v7 =	vld [tilespmem:s11+$0x9A60];
	v0 =	vadd.f32 v1, v0;
	v1 =	vadd.f32 v4, v3  }
0xc1: {  	v3 =	vadd.f32 v9, v8;
	v4 =	vadd.f32 v11, v10;
	v8 =	vld [tilespmem:s11+$0x9AE0]  }
0xc2: {  	v5 =	vadd.f32 v59, v58;
	v9 =	vld [tilespmem:s11+$0x9B20];
	v0 =	vadd.f32 v1, v0  }
0xc3: {  	v11 =	vld [tilespmem:s11+$0x9B60];
	v1 =	vadd.f32 v13, v12;
	v10 =	vadd.f32 v4, v3  }
0xc4: {  	v3 =	vadd.f32 v15, v14;
	v4 =	vadd.f32 v57, v56;
	v12 =	vld [tilespmem:s11+$0x9BA0]  }
0xc5: {  	s9 =	simm.s32 $0x200;
	v13 =	vadd.f32 v61, v60;
	v14 =	vld [tilespmem:s11+$0x9BE0];
	v2 =	vadd.f32 v2, v62  }
0xc6: {  	v1 =	vadd.f32 v3, v1;
	v3 =	vimm.f32 $0.0e+00;
	v15 =	vadd.f32 v5, v4;
	v4 =	vld [tilespmem:s9+$0x9A30]  }
0xc7: {  	v5 =	vld [tilespmem:s9+$0x9A70];
	v0 =	vadd.f32 v0, v3;
	v2 =	vadd.f32 v2, v13  }
0xc8: {  	v13 =	vadd.f32 v8, v63;
	v8 =	vld [tilespmem:s9+$0x9AF0];
	v1 =	vadd.f32 v1, v10  }
0xc9: {  	v10 =	vadd.f32 v7, v6;
	v6 =	vld [tilespmem:s9+$0x9AB0];
	v2 =	vadd.f32 v2, v15  }
0xca: {  	v7 =	vld [tilespmem:s9+$0x9B30];
	v15 =	vadd.f32 v11, v9;
	v12 =	vadd.f32 v14, v12  }
0xcb: {  	v9 =	vld [tilespmem:s9+$0x9B70];
	v1 =	vadd.f32 v1, v3;
	v11 =	vadd.f32 v13, v10  }
0xcc: {  	s10 =	simm.s32 $0x1000;
	v10 =	vld [tilespmem:s9+$0x9BB0];
	v2 =	vadd.f32 v2, v3;
	v12 =	vadd.f32 v12, v15  }
.LBB2_5:
0xcd: {  	p1 =	sne.s32 s10, $0xC000;
	v13 =	vld [tilespmem:s9+$0x9BF0]  }
0xce: {  	v14 =	vld [tilespmem:s9+$0x9A00];
	v11 =	vadd.f32 v12, v11  }
0xcf: {  	v12 =	vld [tilespmem:s9+$0x9A40]  }
0xd0: {  	v15 =	vld [tilespmem:s9+$0x9A80];
	v3 =	vadd.f32 v11, v3  }
0xd1: {  	v4 =	vadd.f32 v5, v4;
	v5 =	vadd.f32 v8, v6;
	v11 =	vld [tilespmem:s9+$0x9AC0]  }
0xd2: {  	v7 =	vadd.f32 v9, v7;
	v6 =	vld [tilespmem:s9+$0x9B00];
	v8 =	vadd.f32 v13, v10  }
0xd3: {  	v9 =	vld [tilespmem:s9+$0x9B40]  }
0xd4: {  	v4 =	vadd.f32 v5, v4;
	v10 =	vld [tilespmem:s9+$0x9B80];
	v5 =	vadd.f32 v8, v7  }
0xd5: {  	v8 =	vadd.f32 v12, v14;
	v7 =	vld [tilespmem:s9+$0x9BC0]  }
0xd6: {  	v11 =	vadd.f32 v11, v15;
	v12 =	vld [tilespmem:s9+$0x9A10];
	v4 =	vadd.f32 v5, v4  }
0xd7: {  	v5 =	vld [tilespmem:s9+$0x9A50]  }
0xd8: {  	v6 =	vadd.f32 v9, v6;
	v9 =	vld [tilespmem:s9+$0x9A90];
	v0 =	vadd.f32 v4, v0  }
0xd9: {  	v4 =	vadd.f32 v11, v8;
	v8 =	vld [tilespmem:s9+$0x9AD0]  }
0xda: {  	v7 =	vadd.f32 v7, v10;
	v10 =	vld [tilespmem:s9+$0x9B10]  }
0xdb: {  	v11 =	vld [tilespmem:s9+$0x9B50]  }
0xdc: {  	v6 =	vadd.f32 v7, v6;
	v7 =	vld [tilespmem:s9+$0x9B90];
	v5 =	vadd.f32 v5, v12  }
0xdd: {  	v12 =	vld [tilespmem:s9+$0x9BD0]  }
0xde: {  	v4 =	vadd.f32 v6, v4;
	v6 =	vadd.f32 v8, v9;
	v8 =	vld [tilespmem:s9+$0x9A20]  }
0xdf: {  	v9 =	vld [tilespmem:s9+$0x9A60]  }
0xe0: {  	v10 =	vadd.f32 v11, v10;
	v5 =	vadd.f32 v6, v5;
	v6 =	vld [tilespmem:s9+$0x9AA0]  }
0xe1: {  	v1 =	vadd.f32 v4, v1;
	v11 =	vld [tilespmem:s9+$0x9AE0]  }
0xe2: {  	v4 =	vadd.f32 v12, v7;
	v7 =	vld [tilespmem:s9+$0x9B20]  }
0xe3: {  	v12 =	vld [tilespmem:s9+$0x9B60]  }
0xe4: {  	v10 =	vadd.f32 v4, v10;
	v13 =	vld [tilespmem:s9+$0x9BA0];
	v8 =	vadd.f32 v9, v8  }
0xe5: {  	v9 =	vld [tilespmem:s9+$0x9BE0];
	s9 =	sshra.s32 s10, $0x2  }
0xe6: {  	v4 =	vld [tilespmem:s9+$0x9A30];
	v10 =	vadd.f32 v10, v5;
	v11 =	vadd.f32 v11, v6  }
0xe7: {  	v5 =	vld [tilespmem:s9+$0x9A70]  }
.Ltmp3:
0xe8: {  	v6 =	vld [tilespmem:s9+$0x9AB0];
	v12 =	vadd.f32 v12, v7;
	v11 =	vadd.f32 v11, v8;
	(pc) =	sbr.rel @p1 .LBB2_5-.Ltmp3, $4  }
0xe9: {  	v2 =	vadd.f32 v10, v2;
	v8 =	vld [tilespmem:s9+$0x9AF0]  }
0xea: {  	v7 =	vld [tilespmem:s9+$0x9B30];
	v13 =	vadd.f32 v9, v13  }
0xeb: {  	v9 =	vld [tilespmem:s9+$0x9B70]  }
0xec: {  	s10 =	sadd.s32 $0x800, s10;
	v10 =	vld [tilespmem:s9+$0x9BB0];
	v12 =	vadd.f32 v13, v12  }
0xed: {  	v13 =	vld [tilespmem:s9+$0x9BF0]  }
0xee: {  	v14 =	vld [tilespmem:s9+$0x9A00]  }
0xef: {  	v15 =	vld [tilespmem:s9+$0x9A40]  }
0xf0: {  	v16 =	vld [tilespmem:s9+$0x9A80]  }
0xf1: {  	v17 =	vld [tilespmem:s9+$0x9AC0]  }
0xf2: {  	v18 =	vld [tilespmem:s9+$0x9B00]  }
0xf3: {  	v19 =	vld [tilespmem:s9+$0x9B40]  }
0xf4: {  	v20 =	vld [tilespmem:s9+$0x9B80]  }
0xf5: {  	v21 =	vld [tilespmem:s9+$0x9BC0]  }
0xf6: {  	v22 =	vld [tilespmem:s9+$0x9A10]  }
0xf7: {  	v23 =	vld [tilespmem:s9+$0x9A50]  }
0xf8: {  	v24 =	vld [tilespmem:s9+$0x9A90]  }
0xf9: {  	v25 =	vld [tilespmem:s9+$0x9AD0]  }
0xfa: {  	v26 =	vld [tilespmem:s9+$0x9B10]  }
0xfb: {  	v27 =	vld [tilespmem:s9+$0x9B50]  }
0xfc: {  	v28 =	vld [tilespmem:s9+$0x9B90]  }
0xfd: {  	v29 =	vld [tilespmem:s9+$0x9BD0]  }
0xfe: {  	v30 =	vld [tilespmem:s9+$0x9A60];
	v11 =	vadd.f32 v12, v11  }
0xff: {  	v4 =	vadd.f32 v5, v4;
	v53 =	vld [tilespmem:s9+$0x9B60];
	v5 =	vadd.f32 v8, v6  }
0x100: {  	v12 =	vld [tilespmem:s9+$0x9A20];
	v3 =	vadd.f32 v11, v3  }
0x101: {  	v6 =	vld [tilespmem:s9+$0x9AE0];
	v7 =	vadd.f32 v9, v7;
	v4 =	vadd.f32 v5, v4  }
0x102: {  	v11 =	vld [tilespmem:s9+$0x9AA0];
	v8 =	vadd.f32 v15, v14;
	v14 =	vadd.f32 v17, v16  }
0x103: {  	v15 =	vld [tilespmem:s9+$0x9B20];
	v51 =	vadd.f32 v19, v18;
	v52 =	vadd.f32 v21, v20  }
0x104: {  	v9 =	vadd.f32 v13, v10;
	v10 =	vld [tilespmem:s9+$0x9BA0];
	v5 =	vadd.f32 v23, v22  }
0x105: {  	v54 =	vadd.f32 v27, v26;
	v8 =	vadd.f32 v14, v8;
	v14 =	vld [tilespmem:s9+$0x9BE0]  }
0x106: {  	v55 =	vadd.f32 v29, v28;
	v13 =	vadd.f32 v52, v51  }
0x107: {  	v12 =	vadd.f32 v30, v12;
	v7 =	vadd.f32 v9, v7  }
0x108: {  	v6 =	vadd.f32 v6, v11;
	v8 =	vadd.f32 v13, v8  }
0x109: {  	v13 =	vadd.f32 v25, v24;
	v4 =	vadd.f32 v7, v4  }
0x10a: {  	v11 =	vadd.f32 v53, v15;
	v10 =	vadd.f32 v14, v10  }
0x10b: {  	v5 =	vadd.f32 v13, v5;
	v13 =	vadd.f32 v55, v54  }
0x10c: {  	v6 =	vadd.f32 v6, v12;
	v10 =	vadd.f32 v10, v11  }
0x10d: {  	v1 =	vadd.f32 v8, v1;
	v5 =	vadd.f32 v13, v5  }
0x10e: {  	v0 =	vadd.f32 v4, v0;
	v6 =	vadd.f32 v10, v6  }
0x10f: {  	[tilespmem:s1+$0x13040] =	vst v1;
	v2 =	vadd.f32 v5, v2  }
0x110: {  	[tilespmem:s1+$0x13070] =	vst v0;
	v3 =	vadd.f32 v6, v3  }
0x111: {  	[tilespmem:s1+$0x13050] =	vst v2  }
0x112: {  	s10 =	simm.s32 @!p0 $0x64;
	s11 =	simm.s32 @!p0 $0x9A00;
	s9 =	sadd.s32 @!p0 $0x410, s0;
	[tilespmem:s1+$0x13060] =	vst v3  }
0x113: {  	[tilespmem:s11], [sflag:$0x2] =	stream.indirect.gather @!p0 [hbm4b:s3+s10], $0x40, s9, s10, $0xb8;
	[tilespmem:$0x15000] =	vst v63  }
0x114: {  	s9 =	sadd.s32 @!p0 $0x478, s0;
	s11 =	simm.s32 @!p0 $0xB300  }
0x115: {  	[tilespmem:s11], [sflag:$0x2] =	stream.indirect.gather @!p0 [hbm4b:s3+s10], $0x40, s9, s10, $0xb8;
	[tilespmem:$0x15000] =	vst v63  }
0x116: {  	_ =	swait.ge [sflag:s26], $0x1900  }
0x117: {  	[sflag:s26] =	ssyncset.done $0x0  }
0x118: {  	[sflag:s26] =	ssyncadd.s32 $0xFFFFE700  }
0x119: {  	_ =	swait.ge [sflag:s26], $0x1900  }
0x11a: {  	[sflag:s26] =	ssyncset.done $0x0  }
0x11b: {  	s11 =	simm.s32 $0x0;
	[sflag:s26] =	ssyncadd.s32 $0xFFFFE700  }
0x11c: {  	v0 =	vld [tilespmem:s11+$0xCC30]  }
0x11d: {  	v1 =	vld [tilespmem:s11+$0xCC70]  }
0x11e: {  	v2 =	vld [tilespmem:s11+$0xCCB0]  }
0x11f: {  	v3 =	vld [tilespmem:s11+$0xCCF0]  }
0x120: {  	v4 =	vld [tilespmem:s11+$0xCD30]  }
0x121: {  	v5 =	vld [tilespmem:s11+$0xCD70]  }
0x122: {  	v6 =	vld [tilespmem:s11+$0xCDB0]  }
0x123: {  	v7 =	vld [tilespmem:s11+$0xCDF0]  }
0x124: {  	v8 =	vld [tilespmem:s11+$0xCC00]  }
0x125: {  	v9 =	vld [tilespmem:s11+$0xCC40]  }
0x126: {  	v10 =	vld [tilespmem:s11+$0xCC80]  }
0x127: {  	v11 =	vld [tilespmem:s11+$0xCCC0]  }
0x128: {  	v12 =	vld [tilespmem:s11+$0xCD00]  }
0x129: {  	v13 =	vld [tilespmem:s11+$0xCD40]  }
0x12a: {  	v14 =	vld [tilespmem:s11+$0xCD80]  }
0x12b: {  	v15 =	vld [tilespmem:s11+$0xCDC0]  }
0x12c: {  	v56 =	vld [tilespmem:s11+$0xCC10]  }
0x12d: {  	v57 =	vld [tilespmem:s11+$0xCC50]  }
0x12e: {  	v58 =	vld [tilespmem:s11+$0xCC90]  }
0x12f: {  	v59 =	vld [tilespmem:s11+$0xCCD0]  }
0x130: {  	v60 =	vld [tilespmem:s11+$0xCD10]  }
0x131: {  	v61 =	vld [tilespmem:s11+$0xCD50]  }
0x132: {  	v62 =	vld [tilespmem:s11+$0xCD90]  }
0x133: {  	v63 =	vld [tilespmem:s11+$0xCCA0];
	v0 =	vadd.f32 v1, v0;
	v1 =	vadd.f32 v3, v2  }
0x134: {  	v2 =	vld [tilespmem:s11+$0xCDD0];
	v3 =	vadd.f32 v5, v4;
	v4 =	vadd.f32 v7, v6  }
0x135: {  	v6 =	vld [tilespmem:s11+$0xCC20]  }
0x136: {  	v7 =	vld [tilespmem:s11+$0xCC60];
	v0 =	vadd.f32 v1, v0;
	v1 =	vadd.f32 v4, v3  }
0x137: {  	v3 =	vadd.f32 v9, v8;
	v4 =	vadd.f32 v11, v10;
	v8 =	vld [tilespmem:s11+$0xCCE0]  }
0x138: {  	v5 =	vadd.f32 v59, v58;
	v9 =	vld [tilespmem:s11+$0xCD20];
	v0 =	vadd.f32 v1, v0  }
0x139: {  	v11 =	vld [tilespmem:s11+$0xCD60];
	v1 =	vadd.f32 v13, v12;
	v10 =	vadd.f32 v4, v3  }
0x13a: {  	v3 =	vadd.f32 v15, v14;
	v4 =	vadd.f32 v57, v56;
	v12 =	vld [tilespmem:s11+$0xCDA0]  }
0x13b: {  	s9 =	simm.s32 $0x200;
	v13 =	vadd.f32 v61, v60;
	v14 =	vld [tilespmem:s11+$0xCDE0];
	v2 =	vadd.f32 v2, v62  }
0x13c: {  	v1 =	vadd.f32 v3, v1;
	v3 =	vimm.f32 $0.0e+00;
	v15 =	vadd.f32 v5, v4;
	v4 =	vld [tilespmem:s9+$0xCC30]  }
0x13d: {  	v5 =	vld [tilespmem:s9+$0xCC70];
	v0 =	vadd.f32 v0, v3;
	v2 =	vadd.f32 v2, v13  }
0x13e: {  	v13 =	vadd.f32 v8, v63;
	v8 =	vld [tilespmem:s9+$0xCCF0];
	v1 =	vadd.f32 v1, v10  }
0x13f: {  	v10 =	vadd.f32 v7, v6;
	v6 =	vld [tilespmem:s9+$0xCCB0];
	v2 =	vadd.f32 v2, v15  }
0x140: {  	v7 =	vld [tilespmem:s9+$0xCD30];
	v15 =	vadd.f32 v11, v9;
	v12 =	vadd.f32 v14, v12  }
0x141: {  	v9 =	vld [tilespmem:s9+$0xCD70];
	v1 =	vadd.f32 v1, v3;
	v11 =	vadd.f32 v13, v10  }
0x142: {  	s10 =	simm.s32 $0x1000;
	v10 =	vld [tilespmem:s9+$0xCDB0];
	v2 =	vadd.f32 v2, v3;
	v12 =	vadd.f32 v12, v15  }
.LBB2_7:
0x143: {  	p1 =	sne.s32 s10, $0xC000;
	v13 =	vld [tilespmem:s9+$0xCDF0]  }
0x144: {  	v14 =	vld [tilespmem:s9+$0xCC00];
	v11 =	vadd.f32 v12, v11  }
0x145: {  	v12 =	vld [tilespmem:s9+$0xCC40]  }
0x146: {  	v15 =	vld [tilespmem:s9+$0xCC80];
	v3 =	vadd.f32 v11, v3  }
0x147: {  	v4 =	vadd.f32 v5, v4;
	v5 =	vadd.f32 v8, v6;
	v11 =	vld [tilespmem:s9+$0xCCC0]  }
0x148: {  	v7 =	vadd.f32 v9, v7;
	v6 =	vld [tilespmem:s9+$0xCD00];
	v8 =	vadd.f32 v13, v10  }
0x149: {  	v9 =	vld [tilespmem:s9+$0xCD40]  }
0x14a: {  	v4 =	vadd.f32 v5, v4;
	v10 =	vld [tilespmem:s9+$0xCD80];
	v5 =	vadd.f32 v8, v7  }
0x14b: {  	v8 =	vadd.f32 v12, v14;
	v7 =	vld [tilespmem:s9+$0xCDC0]  }
0x14c: {  	v11 =	vadd.f32 v11, v15;
	v12 =	vld [tilespmem:s9+$0xCC10];
	v4 =	vadd.f32 v5, v4  }
0x14d: {  	v5 =	vld [tilespmem:s9+$0xCC50]  }
0x14e: {  	v6 =	vadd.f32 v9, v6;
	v9 =	vld [tilespmem:s9+$0xCC90];
	v0 =	vadd.f32 v4, v0  }
0x14f: {  	v4 =	vadd.f32 v11, v8;
	v8 =	vld [tilespmem:s9+$0xCCD0]  }
0x150: {  	v7 =	vadd.f32 v7, v10;
	v10 =	vld [tilespmem:s9+$0xCD10]  }
0x151: {  	v11 =	vld [tilespmem:s9+$0xCD50]  }
0x152: {  	v6 =	vadd.f32 v7, v6;
	v7 =	vld [tilespmem:s9+$0xCD90];
	v5 =	vadd.f32 v5, v12  }
0x153: {  	v12 =	vld [tilespmem:s9+$0xCDD0]  }
0x154: {  	v4 =	vadd.f32 v6, v4;
	v6 =	vadd.f32 v8, v9;
	v8 =	vld [tilespmem:s9+$0xCC20]  }
0x155: {  	v9 =	vld [tilespmem:s9+$0xCC60]  }
0x156: {  	v10 =	vadd.f32 v11, v10;
	v5 =	vadd.f32 v6, v5;
	v6 =	vld [tilespmem:s9+$0xCCA0]  }
0x157: {  	v1 =	vadd.f32 v4, v1;
	v11 =	vld [tilespmem:s9+$0xCCE0]  }
0x158: {  	v4 =	vadd.f32 v12, v7;
	v7 =	vld [tilespmem:s9+$0xCD20]  }
0x159: {  	v12 =	vld [tilespmem:s9+$0xCD60]  }
0x15a: {  	v10 =	vadd.f32 v4, v10;
	v13 =	vld [tilespmem:s9+$0xCDA0];
	v8 =	vadd.f32 v9, v8  }
0x15b: {  	v9 =	vld [tilespmem:s9+$0xCDE0];
	s9 =	sshra.s32 s10, $0x2  }
0x15c: {  	v4 =	vld [tilespmem:s9+$0xCC30];
	v10 =	vadd.f32 v10, v5;
	v11 =	vadd.f32 v11, v6  }
0x15d: {  	v5 =	vld [tilespmem:s9+$0xCC70]  }
.Ltmp4:
0x15e: {  	v6 =	vld [tilespmem:s9+$0xCCB0];
	v12 =	vadd.f32 v12, v7;
	v11 =	vadd.f32 v11, v8;
	(pc) =	sbr.rel @p1 .LBB2_7-.Ltmp4, $4  }
0x15f: {  	v2 =	vadd.f32 v10, v2;
	v8 =	vld [tilespmem:s9+$0xCCF0]  }
0x160: {  	v7 =	vld [tilespmem:s9+$0xCD30];
	v13 =	vadd.f32 v9, v13  }
0x161: {  	v9 =	vld [tilespmem:s9+$0xCD70]  }
0x162: {  	s10 =	sadd.s32 $0x800, s10;
	v10 =	vld [tilespmem:s9+$0xCDB0];
	v12 =	vadd.f32 v13, v12  }
0x163: {  	v13 =	vld [tilespmem:s9+$0xCDF0]  }
0x164: {  	v14 =	vld [tilespmem:s9+$0xCC00]  }
0x165: {  	v15 =	vld [tilespmem:s9+$0xCC40]  }
0x166: {  	v16 =	vld [tilespmem:s9+$0xCC80]  }
0x167: {  	v17 =	vld [tilespmem:s9+$0xCCC0]  }
0x168: {  	v18 =	vld [tilespmem:s9+$0xCD00]  }
0x169: {  	v19 =	vld [tilespmem:s9+$0xCD40]  }
0x16a: {  	v20 =	vld [tilespmem:s9+$0xCD80]  }
0x16b: {  	v21 =	vld [tilespmem:s9+$0xCDC0]  }
0x16c: {  	v22 =	vld [tilespmem:s9+$0xCC10]  }
0x16d: {  	v23 =	vld [tilespmem:s9+$0xCC50]  }
0x16e: {  	v24 =	vld [tilespmem:s9+$0xCC90]  }
0x16f: {  	v25 =	vld [tilespmem:s9+$0xCCD0]  }
0x170: {  	v26 =	vld [tilespmem:s9+$0xCD10]  }
0x171: {  	v27 =	vld [tilespmem:s9+$0xCD50]  }
0x172: {  	v28 =	vld [tilespmem:s9+$0xCD90]  }
0x173: {  	v29 =	vld [tilespmem:s9+$0xCDD0]  }
0x174: {  	v30 =	vld [tilespmem:s9+$0xCC60];
	v11 =	vadd.f32 v12, v11  }
0x175: {  	v4 =	vadd.f32 v5, v4;
	v53 =	vld [tilespmem:s9+$0xCD60];
	v5 =	vadd.f32 v8, v6  }
0x176: {  	v12 =	vld [tilespmem:s9+$0xCC20];
	v3 =	vadd.f32 v11, v3  }
0x177: {  	v6 =	vld [tilespmem:s9+$0xCCE0];
	v7 =	vadd.f32 v9, v7;
	v4 =	vadd.f32 v5, v4  }
0x178: {  	v11 =	vld [tilespmem:s9+$0xCCA0];
	v8 =	vadd.f32 v15, v14;
	v14 =	vadd.f32 v17, v16  }
0x179: {  	v15 =	vld [tilespmem:s9+$0xCD20];
	v51 =	vadd.f32 v19, v18;
	v52 =	vadd.f32 v21, v20  }
0x17a: {  	v9 =	vadd.f32 v13, v10;
	v10 =	vld [tilespmem:s9+$0xCDA0];
	v5 =	vadd.f32 v23, v22  }
0x17b: {  	v54 =	vadd.f32 v27, v26;
	v8 =	vadd.f32 v14, v8;
	v14 =	vld [tilespmem:s9+$0xCDE0]  }
0x17c: {  	v55 =	vadd.f32 v29, v28;
	v13 =	vadd.f32 v52, v51  }
0x17d: {  	v12 =	vadd.f32 v30, v12;
	v7 =	vadd.f32 v9, v7  }
0x17e: {  	v6 =	vadd.f32 v6, v11;
	v8 =	vadd.f32 v13, v8  }
0x17f: {  	v13 =	vadd.f32 v25, v24;
	v4 =	vadd.f32 v7, v4  }
0x180: {  	v11 =	vadd.f32 v53, v15;
	v10 =	vadd.f32 v14, v10  }
0x181: {  	v5 =	vadd.f32 v13, v5;
	v13 =	vadd.f32 v55, v54  }
0x182: {  	v6 =	vadd.f32 v6, v12;
	v10 =	vadd.f32 v10, v11  }
0x183: {  	v1 =	vadd.f32 v8, v1;
	v5 =	vadd.f32 v13, v5  }
0x184: {  	v0 =	vadd.f32 v4, v0;
	v6 =	vadd.f32 v10, v6  }
0x185: {  	[tilespmem:s1+$0x13080] =	vst v1;
	v2 =	vadd.f32 v5, v2  }
0x186: {  	[tilespmem:s1+$0x130B0] =	vst v0;
	v3 =	vadd.f32 v6, v3  }
0x187: {  	[tilespmem:s1+$0x13090] =	vst v2  }
0x188: {  	s10 =	simm.s32 @!p0 $0x64;
	s11 =	simm.s32 @!p0 $0xCC00;
	s9 =	sadd.s32 @!p0 $0x4E0, s0;
	[tilespmem:s1+$0x130A0] =	vst v3  }
0x189: {  	[tilespmem:s11], [sflag:$0x3] =	stream.indirect.gather @!p0 [hbm4b:s3+s10], $0x40, s9, s10, $0xb8;
	[tilespmem:$0x15000] =	vst v63  }
0x18a: {  	s0 =	sadd.s32 @!p0 $0x548, s0;
	s9 =	simm.s32 @!p0 $0xE500  }
0x18b: {  	[tilespmem:s9], [sflag:$0x3] =	stream.indirect.gather @!p0 [hbm4b:s3+s10], $0x40, s0, s10, $0xb8;
	[tilespmem:$0x15000] =	vst v63  }
0x18c: {  	_ =	swait.ge [sflag:s28], $0x1900  }
0x18d: {  	[sflag:s28] =	ssyncset.done $0x0  }
0x18e: {  	[sflag:s28] =	ssyncadd.s32 $0xFFFFE700  }
0x18f: {  	_ =	swait.ge [sflag:s28], $0x1900  }
0x190: {  	[sflag:s28] =	ssyncset.done $0x0  }
0x191: {  	s11 =	simm.s32 $0x0;
	[sflag:s28] =	ssyncadd.s32 $0xFFFFE700  }
0x192: {  	v0 =	vld [tilespmem:s11+$0xFE30]  }
0x193: {  	v1 =	vld [tilespmem:s11+$0xFE70]  }
0x194: {  	v2 =	vld [tilespmem:s11+$0xFEB0]  }
0x195: {  	v3 =	vld [tilespmem:s11+$0xFEF0]  }
0x196: {  	v4 =	vld [tilespmem:s11+$0xFF30]  }
0x197: {  	v5 =	vld [tilespmem:s11+$0xFF70]  }
0x198: {  	v6 =	vld [tilespmem:s11+$0xFFB0]  }
0x199: {  	v7 =	vld [tilespmem:s11+$0xFFF0]  }
0x19a: {  	v8 =	vld [tilespmem:s11+$0xFE00]  }
0x19b: {  	v9 =	vld [tilespmem:s11+$0xFE40]  }
0x19c: {  	v10 =	vld [tilespmem:s11+$0xFE80]  }
0x19d: {  	v11 =	vld [tilespmem:s11+$0xFEC0]  }
0x19e: {  	v12 =	vld [tilespmem:s11+$0xFF00]  }
0x19f: {  	v13 =	vld [tilespmem:s11+$0xFF40]  }
0x1a0: {  	v14 =	vld [tilespmem:s11+$0xFF80]  }
0x1a1: {  	v15 =	vld [tilespmem:s11+$0xFFC0]  }
0x1a2: {  	v56 =	vld [tilespmem:s11+$0xFE10]  }
0x1a3: {  	v57 =	vld [tilespmem:s11+$0xFE50]  }
0x1a4: {  	v58 =	vld [tilespmem:s11+$0xFE90]  }
0x1a5: {  	v59 =	vld [tilespmem:s11+$0xFED0]  }
0x1a6: {  	v60 =	vld [tilespmem:s11+$0xFF10]  }
0x1a7: {  	v61 =	vld [tilespmem:s11+$0xFF50]  }
0x1a8: {  	v62 =	vld [tilespmem:s11+$0xFF90]  }
0x1a9: {  	v63 =	vld [tilespmem:s11+$0xFEA0];
	v0 =	vadd.f32 v1, v0;
	v1 =	vadd.f32 v3, v2  }
0x1aa: {  	v2 =	vld [tilespmem:s11+$0xFFD0];
	v3 =	vadd.f32 v5, v4;
	v4 =	vadd.f32 v7, v6  }
0x1ab: {  	v6 =	vld [tilespmem:s11+$0xFE20]  }
0x1ac: {  	v7 =	vld [tilespmem:s11+$0xFE60];
	v0 =	vadd.f32 v1, v0;
	v1 =	vadd.f32 v4, v3  }
0x1ad: {  	v3 =	vadd.f32 v9, v8;
	v4 =	vadd.f32 v11, v10;
	v8 =	vld [tilespmem:s11+$0xFEE0]  }
0x1ae: {  	v5 =	vadd.f32 v59, v58;
	v9 =	vld [tilespmem:s11+$0xFF20];
	v0 =	vadd.f32 v1, v0  }
0x1af: {  	v11 =	vld [tilespmem:s11+$0xFF60];
	v1 =	vadd.f32 v13, v12;
	v10 =	vadd.f32 v4, v3  }
0x1b0: {  	v3 =	vadd.f32 v15, v14;
	v4 =	vadd.f32 v57, v56;
	v12 =	vld [tilespmem:s11+$0xFFA0]  }
0x1b1: {  	s0 =	simm.s32 $0x200;
	v13 =	vadd.f32 v61, v60;
	v14 =	vld [tilespmem:s11+$0xFFE0];
	v2 =	vadd.f32 v2, v62  }
0x1b2: {  	v1 =	vadd.f32 v3, v1;
	v3 =	vimm.f32 $0.0e+00;
	v15 =	vadd.f32 v5, v4;
	v4 =	vld [tilespmem:s0+$0xFE30]  }
0x1b3: {  	v5 =	vld [tilespmem:s0+$0xFE70];
	v0 =	vadd.f32 v0, v3;
	v2 =	vadd.f32 v2, v13  }
0x1b4: {  	v13 =	vadd.f32 v8, v63;
	v8 =	vld [tilespmem:s0+$0xFEF0];
	v1 =	vadd.f32 v1, v10  }
0x1b5: {  	v10 =	vadd.f32 v7, v6;
	v6 =	vld [tilespmem:s0+$0xFEB0];
	v2 =	vadd.f32 v2, v15  }
0x1b6: {  	v7 =	vld [tilespmem:s0+$0xFF30];
	v15 =	vadd.f32 v11, v9;
	v12 =	vadd.f32 v14, v12  }
0x1b7: {  	v9 =	vld [tilespmem:s0+$0xFF70];
	v1 =	vadd.f32 v1, v3;
	v11 =	vadd.f32 v13, v10  }
0x1b8: {  	s9 =	simm.s32 $0x1000;
	v10 =	vld [tilespmem:s0+$0xFFB0];
	v2 =	vadd.f32 v2, v3;
	v12 =	vadd.f32 v12, v15  }
.LBB2_9:
0x1b9: {  	p1 =	sne.s32 s9, $0xC000;
	v13 =	vld [tilespmem:s0+$0xFFF0]  }
0x1ba: {  	v14 =	vld [tilespmem:s0+$0xFE00];
	v11 =	vadd.f32 v12, v11  }
0x1bb: {  	v12 =	vld [tilespmem:s0+$0xFE40]  }
0x1bc: {  	v15 =	vld [tilespmem:s0+$0xFE80];
	v3 =	vadd.f32 v11, v3  }
0x1bd: {  	v4 =	vadd.f32 v5, v4;
	v5 =	vadd.f32 v8, v6;
	v11 =	vld [tilespmem:s0+$0xFEC0]  }
0x1be: {  	v7 =	vadd.f32 v9, v7;
	v6 =	vld [tilespmem:s0+$0xFF00];
	v8 =	vadd.f32 v13, v10  }
0x1bf: {  	v9 =	vld [tilespmem:s0+$0xFF40]  }
0x1c0: {  	v4 =	vadd.f32 v5, v4;
	v10 =	vld [tilespmem:s0+$0xFF80];
	v5 =	vadd.f32 v8, v7  }
0x1c1: {  	v8 =	vadd.f32 v12, v14;
	v7 =	vld [tilespmem:s0+$0xFFC0]  }
0x1c2: {  	v11 =	vadd.f32 v11, v15;
	v12 =	vld [tilespmem:s0+$0xFE10];
	v4 =	vadd.f32 v5, v4  }
0x1c3: {  	v5 =	vld [tilespmem:s0+$0xFE50]  }
0x1c4: {  	v6 =	vadd.f32 v9, v6;
	v9 =	vld [tilespmem:s0+$0xFE90];
	v0 =	vadd.f32 v4, v0  }
0x1c5: {  	v4 =	vadd.f32 v11, v8;
	v8 =	vld [tilespmem:s0+$0xFED0]  }
0x1c6: {  	v7 =	vadd.f32 v7, v10;
	v10 =	vld [tilespmem:s0+$0xFF10]  }
0x1c7: {  	v11 =	vld [tilespmem:s0+$0xFF50]  }
0x1c8: {  	v6 =	vadd.f32 v7, v6;
	v7 =	vld [tilespmem:s0+$0xFF90];
	v5 =	vadd.f32 v5, v12  }
0x1c9: {  	v12 =	vld [tilespmem:s0+$0xFFD0]  }
0x1ca: {  	v4 =	vadd.f32 v6, v4;
	v6 =	vadd.f32 v8, v9;
	v8 =	vld [tilespmem:s0+$0xFE20]  }
0x1cb: {  	v9 =	vld [tilespmem:s0+$0xFE60]  }
0x1cc: {  	v10 =	vadd.f32 v11, v10;
	v5 =	vadd.f32 v6, v5;
	v6 =	vld [tilespmem:s0+$0xFEA0]  }
0x1cd: {  	v1 =	vadd.f32 v4, v1;
	v11 =	vld [tilespmem:s0+$0xFEE0]  }
0x1ce: {  	v4 =	vadd.f32 v12, v7;
	v7 =	vld [tilespmem:s0+$0xFF20]  }
0x1cf: {  	v12 =	vld [tilespmem:s0+$0xFF60]  }
0x1d0: {  	v10 =	vadd.f32 v4, v10;
	v13 =	vld [tilespmem:s0+$0xFFA0];
	v8 =	vadd.f32 v9, v8  }
0x1d1: {  	v9 =	vld [tilespmem:s0+$0xFFE0];
	s0 =	sshra.s32 s9, $0x2  }
0x1d2: {  	v4 =	vld [tilespmem:s0+$0xFE30];
	v10 =	vadd.f32 v10, v5;
	v11 =	vadd.f32 v11, v6  }
0x1d3: {  	v5 =	vld [tilespmem:s0+$0xFE70]  }
.Ltmp5:
0x1d4: {  	v6 =	vld [tilespmem:s0+$0xFEB0];
	v12 =	vadd.f32 v12, v7;
	v11 =	vadd.f32 v11, v8;
	(pc) =	sbr.rel @p1 .LBB2_9-.Ltmp5, $4  }
0x1d5: {  	v2 =	vadd.f32 v10, v2;
	v8 =	vld [tilespmem:s0+$0xFEF0]  }
0x1d6: {  	v7 =	vld [tilespmem:s0+$0xFF30];
	v13 =	vadd.f32 v9, v13  }
0x1d7: {  	v9 =	vld [tilespmem:s0+$0xFF70]  }
0x1d8: {  	s9 =	sadd.s32 $0x800, s9;
	v10 =	vld [tilespmem:s0+$0xFFB0];
	v12 =	vadd.f32 v13, v12  }
0x1d9: {  	v13 =	vld [tilespmem:s0+$0xFFF0]  }
0x1da: {  	v14 =	vld [tilespmem:s0+$0xFE00]  }
0x1db: {  	v15 =	vld [tilespmem:s0+$0xFE40]  }
0x1dc: {  	v16 =	vld [tilespmem:s0+$0xFE80]  }
0x1dd: {  	v17 =	vld [tilespmem:s0+$0xFEC0]  }
0x1de: {  	v18 =	vld [tilespmem:s0+$0xFF00]  }
0x1df: {  	v19 =	vld [tilespmem:s0+$0xFF40]  }
0x1e0: {  	v20 =	vld [tilespmem:s0+$0xFF80]  }
0x1e1: {  	v21 =	vld [tilespmem:s0+$0xFFC0]  }
0x1e2: {  	v22 =	vld [tilespmem:s0+$0xFE10]  }
0x1e3: {  	v23 =	vld [tilespmem:s0+$0xFE50]  }
0x1e4: {  	v24 =	vld [tilespmem:s0+$0xFE90]  }
0x1e5: {  	v25 =	vld [tilespmem:s0+$0xFED0]  }
0x1e6: {  	v26 =	vld [tilespmem:s0+$0xFF10]  }
0x1e7: {  	v27 =	vld [tilespmem:s0+$0xFF50]  }
0x1e8: {  	v28 =	vld [tilespmem:s0+$0xFF90]  }
0x1e9: {  	v29 =	vld [tilespmem:s0+$0xFFD0]  }
0x1ea: {  	v44 =	vld [tilespmem:s0+$0xFE20]  }
0x1eb: {  	v30 =	vld [tilespmem:s0+$0xFE60]  }
0x1ec: {  	v45 =	vld [tilespmem:s0+$0xFEA0];
	v11 =	vadd.f32 v12, v11  }
0x1ed: {  	v4 =	vadd.f32 v5, v4;
	v47 =	vld [tilespmem:s0+$0xFEE0];
	v46 =	vadd.f32 v8, v6  }
0x1ee: {  	v50 =	vld [tilespmem:s0+$0xFF20];
	v3 =	vadd.f32 v11, v3  }
0x1ef: {  	v53 =	vld [tilespmem:s0+$0xFF60];
	v7 =	vadd.f32 v9, v7;
	v4 =	vadd.f32 v46, v4  }
0x1f0: {  	v55 =	vld [tilespmem:s0+$0xFFA0];
	v48 =	vadd.f32 v15, v14;
	v49 =	vadd.f32 v17, v16  }
0x1f1: {  	v57 =	vld [tilespmem:s0+$0xFFE0];
	v51 =	vadd.f32 v19, v18;
	v52 =	vadd.f32 v21, v20  }
0x1f2: {  	v54 =	vadd.f32 v13, v10;
	v58 =	vadd.f32 v23, v22  }
0x1f3: {  	v59 =	vadd.f32 v25, v24;
	v60 =	vadd.f32 v27, v26  }
0x1f4: {  	v61 =	vadd.f32 v29, v28;
	v12 =	vadd.f32 v30, v44  }
0x1f5: {  	v6 =	vadd.f32 v47, v45;
	v62 =	vadd.f32 v53, v50  }
0x1f6: {  	v10 =	vadd.f32 v57, v55;
	v8 =	vadd.f32 v49, v48  }
0x1f7: {  	v56 =	vadd.f32 v52, v51;
	v5 =	vadd.f32 v59, v58  }
0x1f8: {  	v63 =	vadd.f32 v61, v60;
	v6 =	vadd.f32 v6, v12  }
0x1f9: {  	v10 =	vadd.f32 v10, v62;
	v8 =	vadd.f32 v56, v8  }
0x1fa: {  	v7 =	vadd.f32 v54, v7;
	v5 =	vadd.f32 v63, v5  }
0x1fb: {  	v6 =	vadd.f32 v10, v6;
	v1 =	vadd.f32 v8, v1  }
.Ltmp6:
0x1fc: {  	v4 =	vadd.f32 v7, v4;
	v2 =	vadd.f32 v5, v2;
	(pc) =	sbr.rel @p0 .LBB2_12-.Ltmp6, $4  }
0x1fd: {  	v3 =	vadd.f32 v6, v3;
	[tilespmem:s1+$0x130C0] =	vst v1  }
0x1fe: {  	v0 =	vadd.f32 v4, v0;
	[tilespmem:s1+$0x130D0] =	vst v2  }
0x1ff: {  	[tilespmem:s1+$0x130E0] =	vst v3  }
0x200: {  	[tilespmem:s1+$0x130F0] =	vst v0  }
0x201: {  	s0 =	smul.u32 $0xD00, s31;
	_ =	sdelay $0x1  }
.Ltmp7:
0x202: {  	s0 =	sshra.s32 s0, $0x2;
	(pc) =	sbr.rel .LBB2_2-.Ltmp7, $4  }
0x203: {  	s1 =	sadd.s32 $0x5B0, s0  }
0x204: {  	[tilespmem:s21], [sflag:$0x4] =	stream.indirect.gather [hbm4b:s3+s8], $0x40, s1, s8, $0xb8;
	[tilespmem:$0x15000] =	vst v63  }
0x205: {  	s31 =	sadd.s32 $0x1, s31;
	s0 =	sadd.s32 $0x618, s0  }
0x206: {  	[tilespmem:s23], [sflag:$0x4] =	stream.indirect.gather [hbm4b:s3+s8], $0x40, s0, s8, $0xb8;
	[tilespmem:$0x15000] =	vst v63  }
.LBB2_13:
0x207: {  	_ =	sfence.sel $0x180000  }
0x208: {  	[bflag:$0x0] =	sbarrier.arrive $0xFFFF  }
0x209: {  	_ =	strace $0x90000047  }
0x20a: {  	s0 =	stileid.u32;
	[bflag:$0x2] =	sbarrier.arrive $0xFFFF  }
0x20b: {  	p0 =	sne.s32 s0, $0x0;
	s0 =	rddreg [dreg:$0x1]  }
0x20c: {  	s0 =	sadd.s32 @!p0 $0x100000, s0  }
0x20d: {  	[sflag:s0] =	ssyncadd.tile.s32 @!p0 $0x1;
	_ =	shalt  }
.Lfunc_end2:
_tile_overlayer_lowered:
.L_overlay_start_2:
0x20e: {  	(tag) =	ssettag $0x2  }
0x20f: {  	s0 =	rddreg [dreg:$0x0];
	s2 =	stileid.u32  }
0x210: {  	s1 =	rddreg [dreg:$0x1];
	p0 =	sne.s32 s2, $0x0  }
0x211: {  	s3 =	rddreg [dreg:$0x2];
	[bflag:$0x3] =	sbarrier.arrive $0xFFFF;
	s2 =	simm.s32 @!p0 $0x1C05  }
0x212: {  	[timem:s3], [sflag:s2] =	dma.local @!p0 [hbm:s0], s1  }
0x213: {  	s0 =	simm.s32 @!p0 $0x5  }
0x214: {  	_ =	swait.ge @!p0 [sflag:s0], s1  }
0x215: {  	s1 =	ssub.s32 @!p0 $0x0, s1;
	[sflag:s0] =	ssyncset.done @!p0 $0x0  }
0x216: {  	[sflag:s0] =	ssyncadd.s32 @!p0 s1  }
0x217: {  	[bflag:$0x3] =	sbarrier.arrive $0xFFFF  }
0x218: {  	_ =	shalt  }

</sc_bundles>
